<compile_context>
chip_gen: v7x
topology: tpu7x:2x2x1
jax: 0.10.2.dev20260603
libtpu: 0.0.44.dev20260713+nightly
codegen_flags: <defaults>
</compile_context>

<pallas_src>
import functools

import jax
import jax.numpy as jnp
from jax import lax
from jax.experimental import pallas as pl
from jax.experimental.pallas import tpu as pltpu
from jax.experimental.pallas import tpu_sc as plsc

H = 64
W = 64
TANFOVX = 0.5773502691896257
TANFOVY = 0.5773502691896257
C0 = 0.28209479177387814
C1 = 0.4886025119029199
C2 = [1.0925484305920792, -1.0925484305920792, 0.31539156525252005,
      -1.0925484305920792, 0.5462742152960396]
C3 = [-0.5900435899266435, 2.890611442640554, -0.4570457994644658,
      0.3731763325901154, -0.4570457994644658, 1.445305721320277,
      -0.5900435899266435]
LOG2E = 1.4426950408889634
LOG2_255 = 7.994353436858858

N = 4096
NPIX = H * W
C_ATTR = 16
PIX_BLK = 4096
G_CHUNK = 256
RANK_BLK = 512
_SC_NC = 2
_SC_NS = 16
_SC_B = N // (_SC_NC * _SC_NS)
_SC_W = 128

_HIGH = lax.Precision.HIGHEST


def _prep_kernel(m3_ref, op_ref, shs_ref, sc_ref, rot_ref, vm_ref, pm_ref,
                 cp_ref, attr_ref, attr_gm_ref, radii_ref, rank_ref):
    x = m3_ref[0:1, :]
    y = m3_ref[1:2, :]
    z = m3_ref[2:3, :]
    vm = vm_ref[...]
    pm = pm_ref[...]

    def rb(v):
        return lax.convert_element_type(
            lax.convert_element_type(v, jnp.bfloat16), jnp.float32)

    xb, yb, zb = rb(x), rb(y), rb(z)

    def vrow(mat, i):
        return (rb(mat[i:i + 1, 0:1]) * xb + rb(mat[i:i + 1, 1:2]) * yb
                + rb(mat[i:i + 1, 2:3]) * zb + rb(mat[i:i + 1, 3:4]))

    pv0 = vrow(vm, 0)
    pv1 = vrow(vm, 1)
    depth = vrow(vm, 2)
    in_front = depth > 0.2
    tz = jnp.where(in_front, depth, 1.0)

    ph0 = vrow(pm, 0)
    ph1 = vrow(pm, 1)
    ph3 = vrow(pm, 3)
    p_w = 1.0 / (ph3 + 1e-7)
    mx = ((ph0 * p_w + 1.0) * W - 1.0) * 0.5
    my = ((ph1 * p_w + 1.0) * H - 1.0) * 0.5

    qr = rot_ref[0:1, :]
    qx = rot_ref[1:2, :]
    qy = rot_ref[2:3, :]
    qz = rot_ref[3:4, :]
    qn = jnp.sqrt(qr * qr + qx * qx + qy * qy + qz * qz) + 1e-12
    qr = qr / qn
    qx = qx / qn
    qy = qy / qn
    qz = qz / qn
    s0 = sc_ref[0:1, :]
    s1 = sc_ref[1:2, :]
    s2 = sc_ref[2:3, :]
    R00 = 1 - 2 * (qy * qy + qz * qz)
    R01 = 2 * (qx * qy - qr * qz)
    R02 = 2 * (qx * qz + qr * qy)
    R10 = 2 * (qx * qy + qr * qz)
    R11 = 1 - 2 * (qx * qx + qz * qz)
    R12 = 2 * (qy * qz - qr * qx)
    R20 = 2 * (qx * qz - qr * qy)
    R21 = 2 * (qy * qz + qr * qx)
    R22 = 1 - 2 * (qx * qx + qy * qy)
    M00 = rb(R00 * s0); M01 = rb(R01 * s1); M02 = rb(R02 * s2)
    M10 = rb(R10 * s0); M11 = rb(R11 * s1); M12 = rb(R12 * s2)
    M20 = rb(R20 * s0); M21 = rb(R21 * s1); M22 = rb(R22 * s2)
    Sg00 = M00 * M00 + M01 * M01 + M02 * M02
    Sg01 = M00 * M10 + M01 * M11 + M02 * M12
    Sg02 = M00 * M20 + M01 * M21 + M02 * M22
    Sg11 = M10 * M10 + M11 * M11 + M12 * M12
    Sg12 = M10 * M20 + M11 * M21 + M12 * M22
    Sg22 = M20 * M20 + M21 * M21 + M22 * M22

    focal_x = W / (2.0 * TANFOVX)
    focal_y = H / (2.0 * TANFOVY)
    limx = 1.3 * TANFOVX
    limy = 1.3 * TANFOVY
    txz = jnp.clip(pv0 / tz, -limx, limx) * tz
    tyz = jnp.clip(pv1 / tz, -limy, limy) * tz
    inv_tz = 1.0 / tz
    J00 = focal_x * inv_tz
    J02 = -focal_x * txz * inv_tz * inv_tz
    J11 = focal_y * inv_tz
    J12 = -focal_y * tyz * inv_tz * inv_tz

    J00b, J02b, J11b, J12b = rb(J00), rb(J02), rb(J11), rb(J12)
    vb = rb(vm)
    T00 = J00b * vb[0:1, 0:1] + J02b * vb[2:3, 0:1]
    T01 = J00b * vb[0:1, 1:2] + J02b * vb[2:3, 1:2]
    T02 = J00b * vb[0:1, 2:3] + J02b * vb[2:3, 2:3]
    T10 = J11b * vb[1:2, 0:1] + J12b * vb[2:3, 0:1]
    T11 = J11b * vb[1:2, 1:2] + J12b * vb[2:3, 1:2]
    T12 = J11b * vb[1:2, 2:3] + J12b * vb[2:3, 2:3]

    T00b, T01b, T02b = rb(T00), rb(T01), rb(T02)
    T10b, T11b, T12b = rb(T10), rb(T11), rb(T12)
    Sg00b, Sg01b, Sg02b = rb(Sg00), rb(Sg01), rb(Sg02)
    Sg11b, Sg12b, Sg22b = rb(Sg11), rb(Sg12), rb(Sg22)
    U00 = T00b * Sg00b + T01b * Sg01b + T02b * Sg02b
    U01 = T00b * Sg01b + T01b * Sg11b + T02b * Sg12b
    U02 = T00b * Sg02b + T01b * Sg12b + T02b * Sg22b
    U10 = T10b * Sg00b + T11b * Sg01b + T12b * Sg02b
    U11 = T10b * Sg01b + T11b * Sg11b + T12b * Sg12b
    U12 = T10b * Sg02b + T11b * Sg12b + T12b * Sg22b
    U00b, U01b, U02b = rb(U00), rb(U01), rb(U02)
    U10b, U11b, U12b = rb(U10), rb(U11), rb(U12)
    cov00 = U00b * T00b + U01b * T01b + U02b * T02b
    cov01 = U00b * T10b + U01b * T11b + U02b * T12b
    cov11 = U10b * T10b + U11b * T11b + U12b * T12b

    a = cov00 + 0.3
    c = cov11 + 0.3
    b = cov01
    det = a * c - b * b
    valid = (det > 0) & in_front
    det_safe = jnp.where(det > 0, det, 1.0)
    inv_det = jnp.where(det > 0, 1.0 / det_safe, 0.0)
    conA = c * inv_det
    conB = -b * inv_det
    conC = a * inv_det
    mid = 0.5 * (a + c)
    lam1 = mid + jnp.sqrt(jnp.maximum(mid * mid - det, 0.1))
    radius = jnp.ceil(3.0 * jnp.sqrt(lam1))
    radii_ref[...] = jnp.where(valid, radius, 0.0).astype(jnp.int32)

    dx = x - cp_ref[0:1, 0:1]
    dy = y - cp_ref[1:2, 0:1]
    dz = z - cp_ref[2:3, 0:1]
    dn = jnp.sqrt(dx * dx + dy * dy + dz * dz) + 1e-12
    dx = dx / dn
    dy = dy / dn
    dz = dz / dn
    xx = dx * dx; yy = dy * dy; zz = dz * dz
    xy = dx * dy; yz = dy * dz; xz = dx * dz

    opac = jnp.where(valid, op_ref[...], 0.0)

    lop = jnp.log2(jnp.where(valid, op_ref[...], 0.0))
    attr_ref[0:1, :] = LOG2E * (-0.5 * (conA * mx * mx + conC * my * my)
                                - conB * mx * my) + lop
    attr_ref[1:2, :] = LOG2E * (conA * mx + conB * my)
    attr_ref[2:3, :] = LOG2E * (conC * my + conB * mx)
    attr_ref[3:4, :] = LOG2E * (-0.5 * conA)
    attr_ref[4:5, :] = LOG2E * (-0.5 * conC)
    attr_ref[5:6, :] = LOG2E * (-conB)
    for ch in range(3):
        def sh(k):
            return shs_ref[ch * 16 + k:ch * 16 + k + 1, :]
        res = C0 * sh(0)
        res = res - C1 * dy * sh(1) + C1 * dz * sh(2) - C1 * dx * sh(3)
        res = (res + C2[0] * xy * sh(4) + C2[1] * yz * sh(5)
               + C2[2] * (2.0 * zz - xx - yy) * sh(6)
               + C2[3] * xz * sh(7) + C2[4] * (xx - yy) * sh(8))
        res = (res + C3[0] * dy * (3.0 * xx - yy) * sh(9)
               + C3[1] * xy * dz * sh(10)
               + C3[2] * dy * (4.0 * zz - xx - yy) * sh(11)
               + C3[3] * dz * (2.0 * zz - 3.0 * xx - 3.0 * yy) * sh(12)
               + C3[4] * dx * (4.0 * zz - xx - yy) * sh(13)
               + C3[5] * dz * (xx - yy) * sh(14)
               + C3[6] * dx * (xx - 3.0 * yy) * sh(15))
        attr_ref[7 + ch:8 + ch, :] = jnp.maximum(res + 0.5, 0.0)
    attr_ref[6:7, :] = opac
    attr_ref[10:11, :] = depth
    attr_ref[11:12, :] = lop
    attr_ref[12:16, :] = jnp.zeros((4, N), jnp.float32)
    attr_gm_ref[:, 0:C_ATTR] = attr_ref[...].T
    attr_gm_ref[:, C_ATTR:_SC_W] = jnp.zeros((N, _SC_W - C_ATTR), jnp.float32)

    dcol_full = jnp.transpose(depth)
    tri_lo = (lax.broadcasted_iota(jnp.int32, (RANK_BLK, RANK_BLK), 1)
              < lax.broadcasted_iota(jnp.int32, (RANK_BLK, RANK_BLK), 0)
              ).astype(jnp.float32)
    col = lax.broadcasted_iota(jnp.int32, (1, N), 1)
    for b in range(N // RANK_BLK):
        i0 = b * RANK_BLK
        dcol = dcol_full[i0:i0 + RANK_BLK, :]
        lef = (depth <= dcol).astype(jnp.float32)
        ltf = (depth < dcol).astype(jnp.float32)
        m = jnp.where(col < i0, lef, ltf)
        eq_diag = (lef[:, i0:i0 + RANK_BLK] - ltf[:, i0:i0 + RANK_BLK])
        cnt = (jnp.sum(m, axis=1, keepdims=True)
               + jnp.sum(eq_diag * tri_lo, axis=1, keepdims=True))
        rank_ref[i0:i0 + RANK_BLK, :] = cnt.astype(jnp.int32)


def _sc_reorder_kernel(attr_hbm, rank_hbm, out_hbm, rows_v, idx_v, sem):
    wid = lax.axis_index("s") * _SC_NC + lax.axis_index("c")
    base = wid * _SC_B
    pltpu.sync_copy(attr_hbm.at[pl.ds(base, _SC_B)], rows_v)
    pltpu.sync_copy(rank_hbm.at[pl.ds(base, _SC_B)], idx_v)
    pltpu.async_copy(rows_v, out_hbm.at[idx_v], sem).wait()


def _composite_kernel(attr_ref, bg_ref, tri_ref, out_ref, carry_ref, *,
                      n_chunks):
    i = pl.program_id(0)
    j = pl.program_id(1)

    @pl.when(j == 0)
    def _():
        carry_ref[...] = jnp.zeros((PIX_BLK, 1), jnp.float32)

    at = attr_ref[:, 0:C_ATTR].T
    pc0 = at[0:1, :]
    pcx = at[1:2, :]
    pcy = at[2:3, :]
    pcxx = at[3:4, :]
    pcyy = at[4:5, :]
    pcxy = at[5:6, :]
    lop = at[11:12, :]
    colors = at[7:10, :]

    p = i * PIX_BLK + lax.broadcasted_iota(jnp.int32, (PIX_BLK, 1), 0)
    px = (p % W).astype(jnp.float32)
    py = (p // W).astype(jnp.float32)
    power = (pc0 + px * pcx + py * pcy + (px * px) * pcxx + (py * py) * pcyy
             + (px * py) * pcxy)
    alpha = jnp.minimum(0.99, jnp.exp2(power))
    ok = (power <= lop) & (power >= -LOG2_255)
    alpha = jnp.where(ok, alpha, 0.0)

    S = jnp.log2(1.0 - alpha)
    excl = lax.dot_general(S, tri_ref[...], (((1,), (0,)), ((), ())),
                           preferred_element_type=jnp.float32)
    logT = excl + carry_ref[...]
    wgt = alpha * jnp.exp2(logT)
    contrib = lax.dot_general(wgt.astype(jnp.bfloat16),
                              colors.astype(jnp.bfloat16),
                              (((1,), (1,)), ((), ())),
                              preferred_element_type=jnp.float32)
    carry_new = logT[:, G_CHUNK - 1:G_CHUNK] + S[:, G_CHUNK - 1:G_CHUNK]
    carry_ref[...] = carry_new

    @pl.when(j == 0)
    def _():
        out_ref[...] = contrib

    @pl.when(j > 0)
    def _():
        out_ref[...] = out_ref[...] + contrib

    @pl.when(j == n_chunks - 1)
    def _():
        out_ref[...] = out_ref[...] + jnp.exp2(carry_new) * bg_ref[...]


def kernel(means3D, means2D, opacities, shs, scales, rotations, bg,
           viewmatrix, projmatrix, campos):
    del means2D
    m3T = means3D.T
    opT = opacities.T
    shsT = shs.transpose(2, 1, 0).reshape(48, N)
    scT = scales.T
    rotT = rotations.T
    cp = campos.reshape(3, 1)
    bg_row = bg.reshape(1, 3)

    attrs, attrs_gm, radii, rank = pl.pallas_call(
        _prep_kernel,
        out_shape=(
            jax.ShapeDtypeStruct((C_ATTR, N), jnp.float32),
            jax.ShapeDtypeStruct((N, _SC_W), jnp.float32),
            jax.ShapeDtypeStruct((1, N), jnp.int32),
            jax.ShapeDtypeStruct((N, 1), jnp.int32),
        ),
    )(m3T, opT, shsT, scT, rotT, viewmatrix, projmatrix, cp)

    sc_reorder = pl.kernel(
        _sc_reorder_kernel,
        out_type=jax.ShapeDtypeStruct((N, _SC_W), jnp.float32),
        mesh=plsc.VectorSubcoreMesh(core_axis_name="c", subcore_axis_name="s"),
        scratch_types=[
            pltpu.VMEM((_SC_B, _SC_W), jnp.float32),
            pltpu.VMEM((_SC_B,), jnp.int32),
            pltpu.SemaphoreType.DMA,
        ],
    )
    sorted_gm = sc_reorder(attrs_gm, rank.reshape(N))

    n_chunks = N // G_CHUNK
    tri = (jnp.arange(G_CHUNK)[:, None] < jnp.arange(G_CHUNK)[None, :]
           ).astype(jnp.float32)
    color = pl.pallas_call(
        functools.partial(_composite_kernel, n_chunks=n_chunks),
        grid=(NPIX // PIX_BLK, n_chunks),
        in_specs=[
            pl.BlockSpec((G_CHUNK, _SC_W), lambda i, j: (j, 0)),
            pl.BlockSpec((1, 3), lambda i, j: (0, 0)),
            pl.BlockSpec((G_CHUNK, G_CHUNK), lambda i, j: (0, 0)),
        ],
        out_specs=pl.BlockSpec((PIX_BLK, 3), lambda i, j: (i, 0)),
        out_shape=jax.ShapeDtypeStruct((NPIX, 3), jnp.float32),
        scratch_shapes=[pltpu.VMEM((PIX_BLK, 1), jnp.float32)],
        compiler_params=pltpu.CompilerParams(
            dimension_semantics=("arbitrary", "arbitrary")),
    )(sorted_gm, bg_row, tri)

    img = color.reshape(H, W, 3).transpose(2, 0, 1)
    return img, radii.reshape(N)

# --- scband reference (transcript-rebuilt; emitter-appended) ---
"""Pipeline reference for scband-gaussian-rasterizer-86818468921943 (READ-ONLY COPY).

The authoritative reference and input builder live on the scoring server;
editing this copy changes nothing except your own understanding.
"""

import jax, jax.numpy as jnp
import numpy as np

H = 64
W = 64
TANFOVX = 0.5773502691896257
TANFOVY = 0.5773502691896257
SCALE_MODIFIER = 1.0
SH_DEGREE = 3
C0 = 0.28209479177387814
C1 = 0.4886025119029199
C2 = [1.0925484305920792, -1.0925484305920792, 0.31539156525252005, -1.0925484305920792, 0.5462742152960396]
C3 = [-0.5900435899266435, 2.890611442640554, -0.4570457994644658, 0.3731763325901154, -0.4570457994644658, 1.445305721320277, -0.5900435899266435]


def quat_to_rot(q):
    r, x, y, z = q[:, 0], q[:, 1], q[:, 2], q[:, 3]
    R = jnp.stack([
        1 - 2 * (y * y + z * z), 2 * (x * y - r * z), 2 * (x * z + r * y),
        2 * (x * y + r * z), 1 - 2 * (x * x + z * z), 2 * (y * z - r * x),
        2 * (x * z - r * y), 2 * (y * z + r * x), 1 - 2 * (x * x + y * y)
    ], axis=-1).reshape(-1, 3, 3)
    return R


def eval_sh(sh, dirs):
    x = dirs[:, 0:1]; y = dirs[:, 1:2]; z = dirs[:, 2:3]
    res = C0 * sh[:, 0]
    res = res - C1 * y * sh[:, 1] + C1 * z * sh[:, 2] - C1 * x * sh[:, 3]
    xx = x * x; yy = y * y; zz = z * z
    xy = x * y; yz = y * z; xz = x * z
    res = (res + C2[0] * xy * sh[:, 4] + C2[1] * yz * sh[:, 5]
           + C2[2] * (2.0 * zz - xx - yy) * sh[:, 6]
           + C2[3] * xz * sh[:, 7] + C2[4] * (xx - yy) * sh[:, 8])
    res = (res + C3[0] * y * (3.0 * xx - yy) * sh[:, 9] + C3[1] * xy * z * sh[:, 10]
           + C3[2] * y * (4.0 * zz - xx - yy) * sh[:, 11]
           + C3[3] * z * (2.0 * zz - 3.0 * xx - 3.0 * yy) * sh[:, 12]
           + C3[4] * x * (4.0 * zz - xx - yy) * sh[:, 13]
           + C3[5] * z * (xx - yy) * sh[:, 14]
           + C3[6] * x * (xx - 3.0 * yy) * sh[:, 15])
    return res


def _render(means3D, opacities, shs, scales, rotations, bg, viewmatrix, projmatrix, campos):
    N = means3D.shape[0]
    ph = jnp.concatenate([means3D, jnp.ones((N, 1), means3D.dtype)], axis=1)
    p_view = ph @ viewmatrix.T
    depth = p_view[:, 2]
    in_front = depth > 0.2
    tz = jnp.where(in_front, depth, 1.0)
    p_hom = ph @ projmatrix.T
    p_w = 1.0 / (p_hom[:, 3] + 1e-7)
    p_proj = p_hom[:, :3] * p_w[:, None]
    mx = ((p_proj[:, 0] + 1.0) * W - 1.0) * 0.5
    my = ((p_proj[:, 1] + 1.0) * H - 1.0) * 0.5
    s = scales * SCALE_MODIFIER
    q = rotations / (jnp.linalg.norm(rotations, axis=1, keepdims=True) + 1e-12)
    Rm = quat_to_rot(q)
    M = Rm * s[:, None, :]
    Sigma = jnp.einsum('nij,nkj->nik', M, M)
    focal_x = W / (2.0 * TANFOVX); focal_y = H / (2.0 * TANFOVY)
    limx = 1.3 * TANFOVX; limy = 1.3 * TANFOVY
    txz = jnp.clip(p_view[:, 0] / tz, -limx, limx) * tz
    tyz = jnp.clip(p_view[:, 1] / tz, -limy, limy) * tz
    zeros = jnp.zeros_like(tz)
    J = jnp.stack([
        jnp.stack([focal_x / tz, zeros, -focal_x * txz / (tz * tz)], axis=-1),
        jnp.stack([zeros, focal_y / tz, -focal_y * tyz / (tz * tz)], axis=-1)
    ], axis=1)
    Wr = viewmatrix[:3, :3]
    T = jnp.einsum('nij,jk->nik', J, Wr)
    TS = jnp.einsum('nij,njk->nik', T, Sigma)
    cov2d = jnp.einsum('nik,nlk->nil', TS, T)
    a = cov2d[:, 0, 0] + 0.3
    c = cov2d[:, 1, 1] + 0.3
    b = cov2d[:, 0, 1]
    det = a * c - b * b
    valid = (det > 0) & in_front
    det_safe = jnp.where(det > 0, det, 1.0)
    inv_det = jnp.where(det > 0, 1.0 / det_safe, 0.0)
    conA = c * inv_det; conB = -b * inv_det; conC = a * inv_det
    mid = 0.5 * (a + c)
    lam1 = mid + jnp.sqrt(jnp.maximum(mid * mid - det, 0.1))
    radius = jnp.ceil(3.0 * jnp.sqrt(lam1))
    radii = jnp.where(valid, radius, 0.0).astype(jnp.int32)
    dirs = means3D - campos[None, :]
    dirs = dirs / (jnp.linalg.norm(dirs, axis=1, keepdims=True) + 1e-12)
    colors = jnp.maximum(eval_sh(shs, dirs) + 0.5, 0.0)
    ys, xs = jnp.meshgrid(jnp.arange(H, dtype=jnp.float32), jnp.arange(W, dtype=jnp.float32), indexing='ij')
    px = xs.reshape(-1); py = ys.reshape(-1)
    dx = px[:, None] - mx[None, :]
    dy = py[:, None] - my[None, :]
    power = -0.5 * (conA[None, :] * dx * dx + conC[None, :] * dy * dy) - conB[None, :] * dx * dy
    g = jnp.exp(jnp.minimum(power, 0.0))
    alpha = jnp.minimum(0.99, opacities[:, 0][None, :] * g)
    ok = (power <= 0.0) & valid[None, :] & (alpha >= 1.0 / 255.0)
    alpha = jnp.where(ok, alpha, 0.0)
    order = jnp.argsort(depth)
    alpha_s = alpha[:, order]
    colors_s = colors[order]
    Tcum = jnp.cumprod(1.0 - alpha_s, axis=1)
    T_excl = jnp.concatenate([jnp.ones((alpha_s.shape[0], 1), alpha_s.dtype), Tcum[:, :-1]], axis=1)
    wgt = alpha_s * T_excl
    Cimg = wgt @ colors_s + Tcum[:, -1:] * bg[None, :]
    color = Cimg.reshape(H, W, 3).transpose(2, 0, 1)
    return color, radii


def setup_inputs(seed: int = 0):
    key = jax.random.key(seed)
    ks = jax.random.split(key, 6)
    N = 4096
    means3D = jax.random.normal(ks[0], (N, 3), dtype=jnp.float32)
    means2D = jnp.zeros((N, 3), dtype=jnp.float32)
    opacities = jax.random.uniform(ks[1], (N, 1), dtype=jnp.float32)
    shs = jax.random.normal(ks[2], (N, 16, 3), dtype=jnp.float32)
    scales = jax.random.uniform(ks[3], (N, 3), dtype=jnp.float32)
    rotations = jax.random.normal(ks[4], (N, 4), dtype=jnp.float32)
    viewmatrix = jnp.array([[1., 0., 0., 0.], [0., 1., 0., 0.], [0., 0., 1., 6.], [0., 0., 0., 1.]], dtype=jnp.float32)
    zn, zf = 0.01, 100.0
    P = jnp.array([[1.0 / TANFOVX, 0., 0., 0.], [0., 1.0 / TANFOVY, 0., 0.], [0., 0., zf / (zf - zn), -(zf * zn) / (zf - zn)], [0., 0., 1., 0.]], dtype=jnp.float32)
    projmatrix = P @ viewmatrix
    bg = jnp.zeros((3,), dtype=jnp.float32)
    campos = jnp.array([0., 0., -6.], dtype=jnp.float32)
    return {"means3D": means3D, "means2D": means2D, "opacities": opacities, "shs": shs, "scales": scales, "rotations": rotations, "bg": bg, "viewmatrix": viewmatrix, "projmatrix": projmatrix, "campos": campos}


def reference(means3D, means2D, opacities, shs, scales, rotations, bg, viewmatrix, projmatrix, campos):
    color, radii = _render(means3D, opacities, shs, scales, rotations, bg, viewmatrix, projmatrix, campos)
    return color, radii

if __name__ == "__main__":
    import jax
    _d = setup_inputs()
    print(jax.jit(kernel)(*tuple(_d.values())))

</pallas_src>

<mosaic_0001>
#map = affine_map<(d0, d1) -> (0, 0)>
#map1 = affine_map<(d0, d1) -> (0)>
module attributes {stable_mosaic.version = 14 : i64} {
  func.func @_sc_reorder_kernel(%arg0: i32, %arg1: i32, %arg2: memref<4096x128xf32, #tpu.memory_space<hbm>>, %arg3: memref<4096xi32, #tpu.memory_space<hbm>>, %arg4: memref<4096x128xf32, #tpu.memory_space<hbm>>, %arg5: memref<128x128xf32, #tpu.memory_space<vmem>>, %arg6: memref<128xi32, #tpu.memory_space<vmem>>, %arg7: memref<!tpu.dma_semaphore, #tpu.memory_space<semaphore_mem>>) attributes {dimension_semantics = [#tpu.dimension_semantics<core_parallel>, #tpu.dimension_semantics<subcore_parallel>], iteration_bounds = array<i64: 2, 16>, scalar_prefetch = 0 : i64, scratch_operands = 3 : i64, tpu.core_type = #tpu.core_type<sc_vector_subcore>, window_params = [{transform_indices = #map}, {transform_indices = #map1}, {transform_indices = #map}]} {
    %mul3A = arith.constant 2 : i32
    %mul3A_0 = arith.muli %arg1, %mul3A : i32
    %add3A = arith.addi %mul3A_0, %arg0 : i32
    %mul3A_1 = arith.constant 128 : i32
    %mul3A_2 = arith.muli %add3A, %mul3A_1 : i32
    "tpu.region"() ({
      %run_scoped3A = tpu.sem_alloc : memref<!tpu.dma_semaphore, #tpu.memory_space<semaphore_mem>>
      %dma_start3A_7 = arith.constant 0 : i32
      %dma_start3A_8 = tpu.memref_slice %arg2[%mul3A_2, %dma_start3A_7] : memref<4096x128xf32, #tpu.memory_space<hbm>> -> memref<128x128xf32, #tpu.memory_space<hbm>>
      %dma_start3A_9 = arith.constant 0 : i32
      %dma_start3A_10 = tpu.memref_slice %arg2[%mul3A_2, %dma_start3A_9] : memref<4096x128xf32, #tpu.memory_space<hbm>> -> memref<128x128xf32, #tpu.memory_space<hbm>>
      tpu.enqueue_dma source(%dma_start3A_10 : memref<128x128xf32, #tpu.memory_space<hbm>>) target(%arg5 : memref<128x128xf32, #tpu.memory_space<vmem>>) target_semaphore(%run_scoped3A : memref<!tpu.dma_semaphore, #tpu.memory_space<semaphore_mem>>)
      %dma_wait3A_11 = arith.constant 0 : i32
      %dma_wait3A_12 = tpu.memref_slice %arg2[%mul3A_2, %dma_wait3A_11] : memref<4096x128xf32, #tpu.memory_space<hbm>> -> memref<128x128xf32, #tpu.memory_space<hbm>>
      %dma_wait3A_13 = arith.constant 0 : i32
      %dma_wait3A_14 = tpu.memref_slice %arg2[%mul3A_2, %dma_wait3A_13] : memref<4096x128xf32, #tpu.memory_space<hbm>> -> memref<128x128xf32, #tpu.memory_space<hbm>>
      tpu.wait_dma2 semaphore(%run_scoped3A : memref<!tpu.dma_semaphore, #tpu.memory_space<semaphore_mem>>) src(%dma_wait3A_14 : memref<128x128xf32, #tpu.memory_space<hbm>>) dst(%arg5 : memref<128x128xf32, #tpu.memory_space<vmem>>)
      tpu.yield
    }) : () -> ()
    "tpu.region"() ({
      %run_scoped3A = tpu.sem_alloc : memref<!tpu.dma_semaphore, #tpu.memory_space<semaphore_mem>>
      %dma_start3A_7 = tpu.memref_slice %arg3[%mul3A_2] : memref<4096xi32, #tpu.memory_space<hbm>> -> memref<128xi32, #tpu.memory_space<hbm>>
      %dma_start3A_8 = tpu.memref_slice %arg3[%mul3A_2] : memref<4096xi32, #tpu.memory_space<hbm>> -> memref<128xi32, #tpu.memory_space<hbm>>
      tpu.enqueue_dma source(%dma_start3A_8 : memref<128xi32, #tpu.memory_space<hbm>>) target(%arg6 : memref<128xi32, #tpu.memory_space<vmem>>) target_semaphore(%run_scoped3A : memref<!tpu.dma_semaphore, #tpu.memory_space<semaphore_mem>>)
      %dma_wait3A_9 = tpu.memref_slice %arg3[%mul3A_2] : memref<4096xi32, #tpu.memory_space<hbm>> -> memref<128xi32, #tpu.memory_space<hbm>>
      %dma_wait3A_10 = tpu.memref_slice %arg3[%mul3A_2] : memref<4096xi32, #tpu.memory_space<hbm>> -> memref<128xi32, #tpu.memory_space<hbm>>
      tpu.wait_dma2 semaphore(%run_scoped3A : memref<!tpu.dma_semaphore, #tpu.memory_space<semaphore_mem>>) src(%dma_wait3A_10 : memref<128xi32, #tpu.memory_space<hbm>>) dst(%arg6 : memref<128xi32, #tpu.memory_space<vmem>>)
      tpu.yield
    }) : () -> ()
    %dma_start3A = arith.constant 0 : i32
    %dma_start3A_3 = arith.constant 0 : i32
    %dma_start3A_4 = tpu.memref_slice %arg4[%dma_start3A, %dma_start3A_3] : memref<4096x128xf32, #tpu.memory_space<hbm>> -> memref<4096x128xf32, #tpu.memory_space<hbm>>
    tpu.enqueue_indirect_dma source(%arg5 : memref<128x128xf32, #tpu.memory_space<vmem>>) target(%dma_start3A_4 : memref<4096x128xf32, #tpu.memory_space<hbm>>) offsets(%arg6 : memref<128xi32, #tpu.memory_space<vmem>>) semaphore(%arg7 : memref<!tpu.dma_semaphore, #tpu.memory_space<semaphore_mem>>)
    %dma_wait3A = arith.constant 0 : i32
    %dma_wait3A_5 = arith.constant 0 : i32
    %dma_wait3A_6 = tpu.memref_slice %arg4[%dma_wait3A, %dma_wait3A_5] : memref<4096x128xf32, #tpu.memory_space<hbm>> -> memref<4096x128xf32, #tpu.memory_space<hbm>>
    tpu.wait_indirect_dma semaphore(%arg7 : memref<!tpu.dma_semaphore, #tpu.memory_space<semaphore_mem>>) src(%arg5 : memref<128x128xf32, #tpu.memory_space<vmem>>) dst(%dma_wait3A_6 : memref<4096x128xf32, #tpu.memory_space<hbm>>)
    return
  }
}

module attributes {stable_mosaic.version = 14 : i64} {
  func.func @_composite_kernel(%arg0: i32, %arg1: i32, %arg2: memref<256x128xf32, #tpu.memory_space<vmem>>, %arg3: memref<1x3xf32, #tpu.memory_space<vmem>>, %arg4: memref<256x256xf32, #tpu.memory_space<vmem>>, %arg5: memref<4096x3xf32, #tpu.memory_space<vmem>>, %arg6: memref<4096x1xf32, #tpu.memory_space<vmem>>) attributes {dimension_semantics = [#tpu.dimension_semantics<arbitrary>, #tpu.dimension_semantics<arbitrary>], iteration_bounds = array<i64: 1, 16>, scalar_prefetch = 0 : i64, scratch_operands = 1 : i64, tpu.core_type = #tpu.core_type<tc>, window_params = [{transform_indices = @transform_0, window_bounds = array<i64: 256, 128>}, {pipeline_mode = #tpu.pipeline_mode<synchronous>, transform_indices = @transform_1, window_bounds = array<i64: 1, 3>}, {pipeline_mode = #tpu.pipeline_mode<synchronous>, transform_indices = @transform_2, window_bounds = array<i64: 256, 256>}, {transform_indices = @transform_3, window_bounds = array<i64: 4096, 3>}]} {
    %eq3A = arith.constant 0 : i32
    %eq3A_0 = arith.cmpi eq, %arg1, %eq3A : i32
    %convert_element_type3A = arith.extui %eq3A_0 : i1 to i32
    %cond3A = arith.constant 0 : i32
    %cond3A_1 = arith.cmpi ne, %convert_element_type3A, %cond3A : i32
    scf.if %cond3A_1 {
      %broadcast_in_dim3A_132 = arith.constant 0.000000e+00 : f32
      %broadcast_in_dim3A_133 = vector.broadcast %broadcast_in_dim3A_132 : f32 to vector<4096x1xf32>
      %swap3A_134 = arith.constant 0 : index
      %swap3A_135 = arith.constant 0 : index
      %swap3A_136 = vector.load %arg6[%swap3A_134, %swap3A_135] : memref<4096x1xf32, #tpu.memory_space<vmem>>, vector<4096x1xf32>
      tpu.vector_store %arg6[%swap3A_134, %swap3A_135], %broadcast_in_dim3A_133 {strides = array<i32>} : memref<4096x1xf32, #tpu.memory_space<vmem>>, vector<4096x1xf32>,
    } else {
    }
    %get3A = arith.constant 0 : index
    %get3A_2 = arith.constant 0 : index
    %get3A_3 = vector.load %arg2[%get3A, %get3A_2] : memref<256x128xf32, #tpu.memory_space<vmem>>, vector<256x16xf32>
    %transpose3A = tpu.transpose %get3A_3, [1, 0] : vector<256x16xf32> -> vector<16x256xf32>
    %slice3A = vector.extract_strided_slice %transpose3A {offsets = [0, 0], sizes = [1, 256], strides = [1, 1]} : vector<16x256xf32> to vector<1x256xf32>
    %slice3A_4 = vector.extract_strided_slice %transpose3A {offsets = [1, 0], sizes = [1, 256], strides = [1, 1]} : vector<16x256xf32> to vector<1x256xf32>
    %slice3A_5 = vector.extract_strided_slice %transpose3A {offsets = [2, 0], sizes = [1, 256], strides = [1, 1]} : vector<16x256xf32> to vector<1x256xf32>
    %slice3A_6 = vector.extract_strided_slice %transpose3A {offsets = [3, 0], sizes = [1, 256], strides = [1, 1]} : vector<16x256xf32> to vector<1x256xf32>
    %slice3A_7 = vector.extract_strided_slice %transpose3A {offsets = [4, 0], sizes = [1, 256], strides = [1, 1]} : vector<16x256xf32> to vector<1x256xf32>
    %slice3A_8 = vector.extract_strided_slice %transpose3A {offsets = [5, 0], sizes = [1, 256], strides = [1, 1]} : vector<16x256xf32> to vector<1x256xf32>
    %slice3A_9 = vector.extract_strided_slice %transpose3A {offsets = [11, 0], sizes = [1, 256], strides = [1, 1]} : vector<16x256xf32> to vector<1x256xf32>
    %slice3A_10 = vector.extract_strided_slice %transpose3A {offsets = [7, 0], sizes = [3, 256], strides = [1, 1]} : vector<16x256xf32> to vector<3x256xf32>
    %mul3A = arith.constant 4096 : i32
    %mul3A_11 = arith.muli %arg0, %mul3A : i32
    %iota3A = tpu.iota {dimensions = array<i32: 0>} : vector<4096x1xi32>
    %add3A = vector.broadcast %mul3A_11 : i32 to vector<4096x1xi32>
    %add3A_12 = arith.addi %add3A, %iota3A : vector<4096x1xi32>
    %jit3A = arith.constant 64 : i32
    %eq3A_13 = arith.constant 0 : i32
    %eq3A_14 = arith.cmpi eq, %jit3A, %eq3A_13 : i32
    %jit3A_15 = arith.constant 1 : i32
    %select_n3A = arith.select %eq3A_14, %jit3A_15, %jit3A : i32
    %rem3A = vector.broadcast %select_n3A : i32 to vector<4096x1xi32>
    %rem3A_16 = arith.remsi %add3A_12, %rem3A : vector<4096x1xi32>
    %ne3A = arith.constant 0 : i32
    %ne3A_17 = vector.broadcast %ne3A : i32 to vector<4096x1xi32>
    %ne3A_18 = arith.cmpi ne, %rem3A_16, %ne3A_17 : vector<4096x1xi32>
    %lt3A = arith.constant 0 : i32
    %lt3A_19 = vector.broadcast %lt3A : i32 to vector<4096x1xi32>
    %lt3A_20 = arith.cmpi slt, %rem3A_16, %lt3A_19 : vector<4096x1xi32>
    %lt3A_21 = arith.constant 0 : i32
    %lt3A_22 = arith.cmpi slt, %select_n3A, %lt3A_21 : i32
    %ne3A_23 = vector.broadcast %lt3A_22 : i1 to vector<4096x1xi1>
    %ne3A_24 = vector.broadcast %ne3A_23 : vector<4096x1xi1> to vector<4096x1xi1>
    %ne3A_25 = arith.xori %lt3A_20, %ne3A_24 : vector<4096x1xi1>
    %and3A = arith.andi %ne3A_25, %ne3A_18 : vector<4096x1xi1>
    %add3A_26 = vector.broadcast %select_n3A : i32 to vector<4096x1xi32>
    %add3A_27 = arith.addi %rem3A_16, %add3A_26 : vector<4096x1xi32>
    %select_n3A_28 = arith.select %and3A, %add3A_27, %rem3A_16 : vector<4096x1xi1>, vector<4096x1xi32>
    %convert_element_type3A_29 = arith.sitofp %select_n3A_28 : vector<4096x1xi32> to vector<4096x1xf32>
    %jit3A_30 = arith.constant 64 : i32
    %div3A = vector.broadcast %jit3A_30 : i32 to vector<4096x1xi32>
    %div3A_31 = arith.divsi %add3A_12, %div3A : vector<4096x1xi32>
    %sign3A = arith.constant 0 : i32
    %sign3A_32 = vector.broadcast %sign3A : i32 to vector<4096x1xi32>
    %sign3A_33 = arith.cmpi sgt, %add3A_12, %sign3A_32 : vector<4096x1xi32>
    %sign3A_34 = arith.extui %sign3A_33 : vector<4096x1xi1> to vector<4096x1xi32>
    %sign3A_35 = arith.constant 0 : i32
    %sign3A_36 = vector.broadcast %sign3A_35 : i32 to vector<4096x1xi32>
    %sign3A_37 = arith.cmpi slt, %add3A_12, %sign3A_36 : vector<4096x1xi32>
    %sign3A_38 = arith.extui %sign3A_37 : vector<4096x1xi1> to vector<4096x1xi32>
    %sign3A_39 = arith.subi %sign3A_34, %sign3A_38 : vector<4096x1xi32>
    %sign3A_40 = arith.constant 0 : i32
    %sign3A_41 = arith.cmpi sgt, %jit3A_30, %sign3A_40 : i32
    %sign3A_42 = arith.extui %sign3A_41 : i1 to i32
    %sign3A_43 = arith.constant 0 : i32
    %sign3A_44 = arith.cmpi slt, %jit3A_30, %sign3A_43 : i32
    %sign3A_45 = arith.extui %sign3A_44 : i1 to i32
    %sign3A_46 = arith.subi %sign3A_42, %sign3A_45 : i32
    %ne3A_47 = vector.broadcast %sign3A_46 : i32 to vector<4096x1xi32>
    %ne3A_48 = arith.cmpi ne, %sign3A_39, %ne3A_47 : vector<4096x1xi32>
    %rem3A_49 = vector.broadcast %jit3A_30 : i32 to vector<4096x1xi32>
    %rem3A_50 = arith.remsi %add3A_12, %rem3A_49 : vector<4096x1xi32>
    %ne3A_51 = arith.constant 0 : i32
    %ne3A_52 = vector.broadcast %ne3A_51 : i32 to vector<4096x1xi32>
    %ne3A_53 = arith.cmpi ne, %rem3A_50, %ne3A_52 : vector<4096x1xi32>
    %and3A_54 = arith.andi %ne3A_48, %ne3A_53 : vector<4096x1xi1>
    %sub3A = arith.constant 1 : i32
    %sub3A_55 = vector.broadcast %sub3A : i32 to vector<4096x1xi32>
    %sub3A_56 = arith.subi %div3A_31, %sub3A_55 : vector<4096x1xi32>
    %select_n3A_57 = arith.select %and3A_54, %sub3A_56, %div3A_31 : vector<4096x1xi1>, vector<4096x1xi32>
    %convert_element_type3A_58 = arith.sitofp %select_n3A_57 : vector<4096x1xi32> to vector<4096x1xf32>
    %mul3A_59 = vector.broadcast %convert_element_type3A_29 : vector<4096x1xf32> to vector<4096x256xf32>
    %mul3A_60 = vector.broadcast %slice3A_4 : vector<1x256xf32> to vector<4096x256xf32>
    %mul3A_61 = arith.mulf %mul3A_59, %mul3A_60 : vector<4096x256xf32>
    %add3A_62 = vector.broadcast %slice3A : vector<1x256xf32> to vector<4096x256xf32>
    %add3A_63 = arith.addf %add3A_62, %mul3A_61 : vector<4096x256xf32>
    %mul3A_64 = vector.broadcast %convert_element_type3A_58 : vector<4096x1xf32> to vector<4096x256xf32>
    %mul3A_65 = vector.broadcast %slice3A_5 : vector<1x256xf32> to vector<4096x256xf32>
    %mul3A_66 = arith.mulf %mul3A_64, %mul3A_65 : vector<4096x256xf32>
    %add3A_67 = arith.addf %add3A_63, %mul3A_66 : vector<4096x256xf32>
    %mul3A_68 = arith.mulf %convert_element_type3A_29, %convert_element_type3A_29 : vector<4096x1xf32>
    %mul3A_69 = vector.broadcast %mul3A_68 : vector<4096x1xf32> to vector<4096x256xf32>
    %mul3A_70 = vector.broadcast %slice3A_6 : vector<1x256xf32> to vector<4096x256xf32>
    %mul3A_71 = arith.mulf %mul3A_69, %mul3A_70 : vector<4096x256xf32>
    %add3A_72 = arith.addf %add3A_67, %mul3A_71 : vector<4096x256xf32>
    %mul3A_73 = arith.mulf %convert_element_type3A_58, %convert_element_type3A_58 : vector<4096x1xf32>
    %mul3A_74 = vector.broadcast %mul3A_73 : vector<4096x1xf32> to vector<4096x256xf32>
    %mul3A_75 = vector.broadcast %slice3A_7 : vector<1x256xf32> to vector<4096x256xf32>
    %mul3A_76 = arith.mulf %mul3A_74, %mul3A_75 : vector<4096x256xf32>
    %add3A_77 = arith.addf %add3A_72, %mul3A_76 : vector<4096x256xf32>
    %mul3A_78 = arith.mulf %convert_element_type3A_29, %convert_element_type3A_58 : vector<4096x1xf32>
    %mul3A_79 = vector.broadcast %mul3A_78 : vector<4096x1xf32> to vector<4096x256xf32>
    %mul3A_80 = vector.broadcast %slice3A_8 : vector<1x256xf32> to vector<4096x256xf32>
    %mul3A_81 = arith.mulf %mul3A_79, %mul3A_80 : vector<4096x256xf32>
    %add3A_82 = arith.addf %add3A_77, %mul3A_81 : vector<4096x256xf32>
    %exp23A = math.exp2 %add3A_82 : vector<4096x256xf32>
    %min3A = arith.constant 9.900000e-01 : f32
    %min3A_83 = vector.broadcast %min3A : f32 to vector<4096x256xf32>
    %min3A_84 = arith.minimumf %min3A_83, %exp23A : vector<4096x256xf32>
    %le3A = vector.broadcast %slice3A_9 : vector<1x256xf32> to vector<4096x256xf32>
    %le3A_85 = arith.cmpf ole, %add3A_82, %le3A : vector<4096x256xf32>
    %ge3A = arith.constant -7.99435329 : f32
    %ge3A_86 = vector.broadcast %ge3A : f32 to vector<4096x256xf32>
    %ge3A_87 = arith.cmpf oge, %add3A_82, %ge3A_86 : vector<4096x256xf32>
    %and3A_88 = arith.andi %le3A_85, %ge3A_87 : vector<4096x256xi1>
    %jit3A_89 = arith.constant 0.000000e+00 : f32
    %broadcast_in_dim3A = vector.broadcast %jit3A_89 : f32 to vector<4096x256xf32>
    %select_n3A_90 = arith.select %and3A_88, %min3A_84, %broadcast_in_dim3A : vector<4096x256xi1>, vector<4096x256xf32>
    %sub3A_91 = arith.constant 1.000000e+00 : f32
    %sub3A_92 = vector.broadcast %sub3A_91 : f32 to vector<4096x256xf32>
    %sub3A_93 = arith.subf %sub3A_92, %select_n3A_90 : vector<4096x256xf32>
    %log3A = math.log %sub3A_93 : vector<4096x256xf32>
    %log3A_94 = arith.constant 2.000000e+00 : f32
    %log3A_95 = math.log %log3A_94 : f32
    %div3A_96 = vector.broadcast %log3A_95 : f32 to vector<4096x256xf32>
    %div3A_97 = arith.divf %log3A, %div3A_96 : vector<4096x256xf32>
    %get3A_98 = arith.constant 0 : index
    %get3A_99 = arith.constant 0 : index
    %get3A_100 = vector.load %arg4[%get3A_98, %get3A_99] : memref<256x256xf32, #tpu.memory_space<vmem>>, vector<256x256xf32>
    %dot_general3A = arith.constant dense<0.000000e+00> : vector<4096x256xf32>
    %dot_general3A_101 = tpu.matmul %div3A_97, %get3A_100, %dot_general3A {dimension_numbers = #tpu.dot_dimension_numbers<[1], [0], [0], [1], [0, 0, 1, 1], [], []>, transpose_lhs_hint = false} : vector<4096x256xf32>, vector<256x256xf32>, vector<4096x256xf32> -> vector<4096x256xf32>
    %get3A_102 = arith.constant 0 : index
    %get3A_103 = arith.constant 0 : index
    %get3A_104 = vector.load %arg6[%get3A_102, %get3A_103] : memref<4096x1xf32, #tpu.memory_space<vmem>>, vector<4096x1xf32>
    %add3A_105 = vector.broadcast %get3A_104 : vector<4096x1xf32> to vector<4096x256xf32>
    %add3A_106 = arith.addf %dot_general3A_101, %add3A_105 : vector<4096x256xf32>
    %exp23A_107 = math.exp2 %add3A_106 : vector<4096x256xf32>
    %mul3A_108 = arith.mulf %select_n3A_90, %exp23A_107 : vector<4096x256xf32>
    %convert_element_type3A_109 = arith.truncf %mul3A_108 : vector<4096x256xf32> to vector<4096x256xbf16>
    %convert_element_type3A_110 = arith.truncf %slice3A_10 : vector<3x256xf32> to vector<3x256xbf16>
    %dot_general3A_111 = arith.constant dense<0.000000e+00> : vector<4096x3xf32>
    %dot_general3A_112 = tpu.matmul %convert_element_type3A_109, %convert_element_type3A_110, %dot_general3A_111 {dimension_numbers = #tpu.dot_dimension_numbers<[1], [1], [0], [0], [0, 0, 1, 0], [], []>, transpose_lhs_hint = false} : vector<4096x256xbf16>, vector<3x256xbf16>, vector<4096x3xf32> -> vector<4096x3xf32>
    %slice3A_113 = vector.extract_strided_slice %add3A_106 {offsets = [0, 255], sizes = [4096, 1], strides = [1, 1]} : vector<4096x256xf32> to vector<4096x1xf32>
    %slice3A_114 = vector.extract_strided_slice %div3A_97 {offsets = [0, 255], sizes = [4096, 1], strides = [1, 1]} : vector<4096x256xf32> to vector<4096x1xf32>
    %add3A_115 = arith.addf %slice3A_113, %slice3A_114 : vector<4096x1xf32>
    %swap3A = arith.constant 0 : index
    %swap3A_116 = arith.constant 0 : index
    %swap3A_117 = vector.load %arg6[%swap3A, %swap3A_116] : memref<4096x1xf32, #tpu.memory_space<vmem>>, vector<4096x1xf32>
    tpu.vector_store %arg6[%swap3A, %swap3A_116], %add3A_115 {strides = array<i32>} : memref<4096x1xf32, #tpu.memory_space<vmem>>, vector<4096x1xf32>,
    %eq3A_118 = arith.constant 0 : i32
    %eq3A_119 = arith.cmpi eq, %arg1, %eq3A_118 : i32
    %convert_element_type3A_120 = arith.extui %eq3A_119 : i1 to i32
    %cond3A_121 = arith.constant 0 : i32
    %cond3A_122 = arith.cmpi ne, %convert_element_type3A_120, %cond3A_121 : i32
    scf.if %cond3A_122 {
      %swap3A_132 = arith.constant 0 : index
      %swap3A_133 = arith.constant 0 : index
      %swap3A_134 = vector.load %arg5[%swap3A_132, %swap3A_133] : memref<4096x3xf32, #tpu.memory_space<vmem>>, vector<4096x3xf32>
      tpu.vector_store %arg5[%swap3A_132, %swap3A_133], %dot_general3A_112 {strides = array<i32>} : memref<4096x3xf32, #tpu.memory_space<vmem>>, vector<4096x3xf32>,
    } else {
    }
    %gt3A = arith.constant 0 : i32
    %gt3A_123 = arith.cmpi sgt, %arg1, %gt3A : i32
    %convert_element_type3A_124 = arith.extui %gt3A_123 : i1 to i32
    %cond3A_125 = arith.constant 0 : i32
    %cond3A_126 = arith.cmpi ne, %convert_element_type3A_124, %cond3A_125 : i32
    scf.if %cond3A_126 {
      %get3A_132 = arith.constant 0 : index
      %get3A_133 = arith.constant 0 : index
      %get3A_134 = vector.load %arg5[%get3A_132, %get3A_133] : memref<4096x3xf32, #tpu.memory_space<vmem>>, vector<4096x3xf32>
      %add3A_135 = arith.addf %get3A_134, %dot_general3A_112 : vector<4096x3xf32>
      %swap3A_136 = arith.constant 0 : index
      %swap3A_137 = arith.constant 0 : index
      %swap3A_138 = vector.load %arg5[%swap3A_136, %swap3A_137] : memref<4096x3xf32, #tpu.memory_space<vmem>>, vector<4096x3xf32>
      tpu.vector_store %arg5[%swap3A_136, %swap3A_137], %add3A_135 {strides = array<i32>} : memref<4096x3xf32, #tpu.memory_space<vmem>>, vector<4096x3xf32>,
    } else {
    }
    %eq3A_127 = arith.constant 15 : i32
    %eq3A_128 = arith.cmpi eq, %arg1, %eq3A_127 : i32
    %convert_element_type3A_129 = arith.extui %eq3A_128 : i1 to i32
    %cond3A_130 = arith.constant 0 : i32
    %cond3A_131 = arith.cmpi ne, %convert_element_type3A_129, %cond3A_130 : i32
    scf.if %cond3A_131 {
      %get3A_132 = arith.constant 0 : index
      %get3A_133 = arith.constant 0 : index
      %get3A_134 = vector.load %arg5[%get3A_132, %get3A_133] : memref<4096x3xf32, #tpu.memory_space<vmem>>, vector<4096x3xf32>
      %exp23A_135 = math.exp2 %add3A_115 : vector<4096x1xf32>
      %get3A_136 = arith.constant 0 : index
      %get3A_137 = arith.constant 0 : index
      %get3A_138 = vector.load %arg3[%get3A_136, %get3A_137] : memref<1x3xf32, #tpu.memory_space<vmem>>, vector<1x3xf32>
      %mul3A_139 = vector.broadcast %exp23A_135 : vector<4096x1xf32> to vector<4096x3xf32>
      %mul3A_140 = vector.broadcast %get3A_138 : vector<1x3xf32> to vector<4096x3xf32>
      %mul3A_141 = arith.mulf %mul3A_139, %mul3A_140 : vector<4096x3xf32>
      %add3A_142 = arith.addf %get3A_134, %mul3A_141 : vector<4096x3xf32>
      %swap3A_143 = arith.constant 0 : index
      %swap3A_144 = arith.constant 0 : index
      %swap3A_145 = vector.load %arg5[%swap3A_143, %swap3A_144] : memref<4096x3xf32, #tpu.memory_space<vmem>>, vector<4096x3xf32>
      tpu.vector_store %arg5[%swap3A_143, %swap3A_144], %add3A_142 {strides = array<i32>} : memref<4096x3xf32, #tpu.memory_space<vmem>>, vector<4096x3xf32>,
    } else {
    }
    return
  }
  func.func @transform_0(%arg0: i32, %arg1: i32) -> (i32, i32) {
    %c0_i32 = arith.constant 0 : i32
    %c0_i32_0 = arith.constant 0 : i32
    return %arg1, %c0_i32 : i32, i32
  }
  func.func @transform_1(%arg0: i32, %arg1: i32) -> (i32, i32) {
    %c0_i32 = arith.constant 0 : i32
    %c0_i32_0 = arith.constant 0 : i32
    %c0_i32_1 = arith.constant 0 : i32
    return %c0_i32, %c0_i32_0 : i32, i32
  }
  func.func @transform_2(%arg0: i32, %arg1: i32) -> (i32, i32) {
    %c0_i32 = arith.constant 0 : i32
    %c0_i32_0 = arith.constant 0 : i32
    %c0_i32_1 = arith.constant 0 : i32
    return %c0_i32, %c0_i32_0 : i32, i32
  }
  func.func @transform_3(%arg0: i32, %arg1: i32) -> (i32, i32) {
    %c0_i32 = arith.constant 0 : i32
    %c0_i32_0 = arith.constant 0 : i32
    return %arg0, %c0_i32 : i32, i32
  }
}

module attributes {stable_mosaic.version = 14 : i64} {
  func.func @_prep_kernel(%arg0: memref<3x4096xf32, #tpu.memory_space<vmem>>, %arg1: memref<1x4096xf32, #tpu.memory_space<vmem>>, %arg2: memref<48x4096xf32, #tpu.memory_space<vmem>>, %arg3: memref<3x4096xf32, #tpu.memory_space<vmem>>, %arg4: memref<4x4096xf32, #tpu.memory_space<vmem>>, %arg5: memref<4x4xf32, #tpu.memory_space<vmem>>, %arg6: memref<4x4xf32, #tpu.memory_space<vmem>>, %arg7: memref<3x1xf32, #tpu.memory_space<vmem>>, %arg8: memref<16x4096xf32, #tpu.memory_space<vmem>>, %arg9: memref<4096x128xf32, #tpu.memory_space<vmem>>, %arg10: memref<1x4096xi32, #tpu.memory_space<vmem>>, %arg11: memref<4096x1xi32, #tpu.memory_space<vmem>>) attributes {dimension_semantics = [], scalar_prefetch = 0 : i64, scratch_operands = 0 : i64, tpu.core_type = #tpu.core_type<tc>} {
    %get3A = arith.constant 0 : index
    %get3A_0 = arith.constant 0 : index
    %get3A_1 = vector.load %arg0[%get3A, %get3A_0] : memref<3x4096xf32, #tpu.memory_space<vmem>>, vector<1x4096xf32>
    %get3A_2 = arith.constant 1 : index
    %get3A_3 = arith.constant 0 : index
    %get3A_4 = vector.load %arg0[%get3A_2, %get3A_3] : memref<3x4096xf32, #tpu.memory_space<vmem>>, vector<1x4096xf32>
    %get3A_5 = arith.constant 2 : index
    %get3A_6 = arith.constant 0 : index
    %get3A_7 = vector.load %arg0[%get3A_5, %get3A_6] : memref<3x4096xf32, #tpu.memory_space<vmem>>, vector<1x4096xf32>
    %get3A_8 = arith.constant 0 : index
    %get3A_9 = arith.constant 0 : index
    %get3A_10 = vector.load %arg5[%get3A_8, %get3A_9] : memref<4x4xf32, #tpu.memory_space<vmem>>, vector<4x4xf32>
    %get3A_11 = arith.constant 0 : index
    %get3A_12 = arith.constant 0 : index
    %get3A_13 = vector.load %arg6[%get3A_11, %get3A_12] : memref<4x4xf32, #tpu.memory_space<vmem>>, vector<4x4xf32>
    %convert_element_type3A = arith.truncf %get3A_1 : vector<1x4096xf32> to vector<1x4096xbf16>
    %convert_element_type3A_14 = arith.extf %convert_element_type3A : vector<1x4096xbf16> to vector<1x4096xf32>
    %convert_element_type3A_15 = arith.truncf %get3A_4 : vector<1x4096xf32> to vector<1x4096xbf16>
    %convert_element_type3A_16 = arith.extf %convert_element_type3A_15 : vector<1x4096xbf16> to vector<1x4096xf32>
    %convert_element_type3A_17 = arith.truncf %get3A_7 : vector<1x4096xf32> to vector<1x4096xbf16>
    %convert_element_type3A_18 = arith.extf %convert_element_type3A_17 : vector<1x4096xbf16> to vector<1x4096xf32>
    %slice3A = vector.extract_strided_slice %get3A_10 {offsets = [0, 0], sizes = [1, 1], strides = [1, 1]} : vector<4x4xf32> to vector<1x1xf32>
    %convert_element_type3A_19 = arith.truncf %slice3A : vector<1x1xf32> to vector<1x1xbf16>
    %convert_element_type3A_20 = arith.extf %convert_element_type3A_19 : vector<1x1xbf16> to vector<1x1xf32>
    %mul3A = vector.broadcast %convert_element_type3A_20 : vector<1x1xf32> to vector<1x4096xf32>
    %mul3A_21 = arith.mulf %mul3A, %convert_element_type3A_14 : vector<1x4096xf32>
    %slice3A_22 = vector.extract_strided_slice %get3A_10 {offsets = [0, 1], sizes = [1, 1], strides = [1, 1]} : vector<4x4xf32> to vector<1x1xf32>
    %convert_element_type3A_23 = arith.truncf %slice3A_22 : vector<1x1xf32> to vector<1x1xbf16>
    %convert_element_type3A_24 = arith.extf %convert_element_type3A_23 : vector<1x1xbf16> to vector<1x1xf32>
    %mul3A_25 = vector.broadcast %convert_element_type3A_24 : vector<1x1xf32> to vector<1x4096xf32>
    %mul3A_26 = arith.mulf %mul3A_25, %convert_element_type3A_16 : vector<1x4096xf32>
    %add3A = arith.addf %mul3A_21, %mul3A_26 : vector<1x4096xf32>
    %slice3A_27 = vector.extract_strided_slice %get3A_10 {offsets = [0, 2], sizes = [1, 1], strides = [1, 1]} : vector<4x4xf32> to vector<1x1xf32>
    %convert_element_type3A_28 = arith.truncf %slice3A_27 : vector<1x1xf32> to vector<1x1xbf16>
    %convert_element_type3A_29 = arith.extf %convert_element_type3A_28 : vector<1x1xbf16> to vector<1x1xf32>
    %mul3A_30 = vector.broadcast %convert_element_type3A_29 : vector<1x1xf32> to vector<1x4096xf32>
    %mul3A_31 = arith.mulf %mul3A_30, %convert_element_type3A_18 : vector<1x4096xf32>
    %add3A_32 = arith.addf %add3A, %mul3A_31 : vector<1x4096xf32>
    %slice3A_33 = vector.extract_strided_slice %get3A_10 {offsets = [0, 3], sizes = [1, 1], strides = [1, 1]} : vector<4x4xf32> to vector<1x1xf32>
    %convert_element_type3A_34 = arith.truncf %slice3A_33 : vector<1x1xf32> to vector<1x1xbf16>
    %convert_element_type3A_35 = arith.extf %convert_element_type3A_34 : vector<1x1xbf16> to vector<1x1xf32>
    %add3A_36 = vector.broadcast %convert_element_type3A_35 : vector<1x1xf32> to vector<1x4096xf32>
    %add3A_37 = arith.addf %add3A_32, %add3A_36 : vector<1x4096xf32>
    %slice3A_38 = vector.extract_strided_slice %get3A_10 {offsets = [1, 0], sizes = [1, 1], strides = [1, 1]} : vector<4x4xf32> to vector<1x1xf32>
    %convert_element_type3A_39 = arith.truncf %slice3A_38 : vector<1x1xf32> to vector<1x1xbf16>
    %convert_element_type3A_40 = arith.extf %convert_element_type3A_39 : vector<1x1xbf16> to vector<1x1xf32>
    %mul3A_41 = vector.broadcast %convert_element_type3A_40 : vector<1x1xf32> to vector<1x4096xf32>
    %mul3A_42 = arith.mulf %mul3A_41, %convert_element_type3A_14 : vector<1x4096xf32>
    %slice3A_43 = vector.extract_strided_slice %get3A_10 {offsets = [1, 1], sizes = [1, 1], strides = [1, 1]} : vector<4x4xf32> to vector<1x1xf32>
    %convert_element_type3A_44 = arith.truncf %slice3A_43 : vector<1x1xf32> to vector<1x1xbf16>
    %convert_element_type3A_45 = arith.extf %convert_element_type3A_44 : vector<1x1xbf16> to vector<1x1xf32>
    %mul3A_46 = vector.broadcast %convert_element_type3A_45 : vector<1x1xf32> to vector<1x4096xf32>
    %mul3A_47 = arith.mulf %mul3A_46, %convert_element_type3A_16 : vector<1x4096xf32>
    %add3A_48 = arith.addf %mul3A_42, %mul3A_47 : vector<1x4096xf32>
    %slice3A_49 = vector.extract_strided_slice %get3A_10 {offsets = [1, 2], sizes = [1, 1], strides = [1, 1]} : vector<4x4xf32> to vector<1x1xf32>
    %convert_element_type3A_50 = arith.truncf %slice3A_49 : vector<1x1xf32> to vector<1x1xbf16>
    %convert_element_type3A_51 = arith.extf %convert_element_type3A_50 : vector<1x1xbf16> to vector<1x1xf32>
    %mul3A_52 = vector.broadcast %convert_element_type3A_51 : vector<1x1xf32> to vector<1x4096xf32>
    %mul3A_53 = arith.mulf %mul3A_52, %convert_element_type3A_18 : vector<1x4096xf32>
    %add3A_54 = arith.addf %add3A_48, %mul3A_53 : vector<1x4096xf32>
    %slice3A_55 = vector.extract_strided_slice %get3A_10 {offsets = [1, 3], sizes = [1, 1], strides = [1, 1]} : vector<4x4xf32> to vector<1x1xf32>
    %convert_element_type3A_56 = arith.truncf %slice3A_55 : vector<1x1xf32> to vector<1x1xbf16>
    %convert_element_type3A_57 = arith.extf %convert_element_type3A_56 : vector<1x1xbf16> to vector<1x1xf32>
    %add3A_58 = vector.broadcast %convert_element_type3A_57 : vector<1x1xf32> to vector<1x4096xf32>
    %add3A_59 = arith.addf %add3A_54, %add3A_58 : vector<1x4096xf32>
    %slice3A_60 = vector.extract_strided_slice %get3A_10 {offsets = [2, 0], sizes = [1, 1], strides = [1, 1]} : vector<4x4xf32> to vector<1x1xf32>
    %convert_element_type3A_61 = arith.truncf %slice3A_60 : vector<1x1xf32> to vector<1x1xbf16>
    %convert_element_type3A_62 = arith.extf %convert_element_type3A_61 : vector<1x1xbf16> to vector<1x1xf32>
    %mul3A_63 = vector.broadcast %convert_element_type3A_62 : vector<1x1xf32> to vector<1x4096xf32>
    %mul3A_64 = arith.mulf %mul3A_63, %convert_element_type3A_14 : vector<1x4096xf32>
    %slice3A_65 = vector.extract_strided_slice %get3A_10 {offsets = [2, 1], sizes = [1, 1], strides = [1, 1]} : vector<4x4xf32> to vector<1x1xf32>
    %convert_element_type3A_66 = arith.truncf %slice3A_65 : vector<1x1xf32> to vector<1x1xbf16>
    %convert_element_type3A_67 = arith.extf %convert_element_type3A_66 : vector<1x1xbf16> to vector<1x1xf32>
    %mul3A_68 = vector.broadcast %convert_element_type3A_67 : vector<1x1xf32> to vector<1x4096xf32>
    %mul3A_69 = arith.mulf %mul3A_68, %convert_element_type3A_16 : vector<1x4096xf32>
    %add3A_70 = arith.addf %mul3A_64, %mul3A_69 : vector<1x4096xf32>
    %slice3A_71 = vector.extract_strided_slice %get3A_10 {offsets = [2, 2], sizes = [1, 1], strides = [1, 1]} : vector<4x4xf32> to vector<1x1xf32>
    %convert_element_type3A_72 = arith.truncf %slice3A_71 : vector<1x1xf32> to vector<1x1xbf16>
    %convert_element_type3A_73 = arith.extf %convert_element_type3A_72 : vector<1x1xbf16> to vector<1x1xf32>
    %mul3A_74 = vector.broadcast %convert_element_type3A_73 : vector<1x1xf32> to vector<1x4096xf32>
    %mul3A_75 = arith.mulf %mul3A_74, %convert_element_type3A_18 : vector<1x4096xf32>
    %add3A_76 = arith.addf %add3A_70, %mul3A_75 : vector<1x4096xf32>
    %slice3A_77 = vector.extract_strided_slice %get3A_10 {offsets = [2, 3], sizes = [1, 1], strides = [1, 1]} : vector<4x4xf32> to vector<1x1xf32>
    %convert_element_type3A_78 = arith.truncf %slice3A_77 : vector<1x1xf32> to vector<1x1xbf16>
    %convert_element_type3A_79 = arith.extf %convert_element_type3A_78 : vector<1x1xbf16> to vector<1x1xf32>
    %add3A_80 = vector.broadcast %convert_element_type3A_79 : vector<1x1xf32> to vector<1x4096xf32>
    %add3A_81 = arith.addf %add3A_76, %add3A_80 : vector<1x4096xf32>
    %gt3A = arith.constant 2.000000e-01 : f32
    %gt3A_82 = vector.broadcast %gt3A : f32 to vector<1x4096xf32>
    %gt3A_83 = arith.cmpf ogt, %add3A_81, %gt3A_82 : vector<1x4096xf32>
    %jit3A = arith.constant 1.000000e+00 : f32
    %broadcast_in_dim3A = vector.broadcast %jit3A : f32 to vector<1x4096xf32>
    %select_n3A = arith.select %gt3A_83, %add3A_81, %broadcast_in_dim3A : vector<1x4096xi1>, vector<1x4096xf32>
    %slice3A_84 = vector.extract_strided_slice %get3A_13 {offsets = [0, 0], sizes = [1, 1], strides = [1, 1]} : vector<4x4xf32> to vector<1x1xf32>
    %convert_element_type3A_85 = arith.truncf %slice3A_84 : vector<1x1xf32> to vector<1x1xbf16>
    %convert_element_type3A_86 = arith.extf %convert_element_type3A_85 : vector<1x1xbf16> to vector<1x1xf32>
    %mul3A_87 = vector.broadcast %convert_element_type3A_86 : vector<1x1xf32> to vector<1x4096xf32>
    %mul3A_88 = arith.mulf %mul3A_87, %convert_element_type3A_14 : vector<1x4096xf32>
    %slice3A_89 = vector.extract_strided_slice %get3A_13 {offsets = [0, 1], sizes = [1, 1], strides = [1, 1]} : vector<4x4xf32> to vector<1x1xf32>
    %convert_element_type3A_90 = arith.truncf %slice3A_89 : vector<1x1xf32> to vector<1x1xbf16>
    %convert_element_type3A_91 = arith.extf %convert_element_type3A_90 : vector<1x1xbf16> to vector<1x1xf32>
    %mul3A_92 = vector.broadcast %convert_element_type3A_91 : vector<1x1xf32> to vector<1x4096xf32>
    %mul3A_93 = arith.mulf %mul3A_92, %convert_element_type3A_16 : vector<1x4096xf32>
    %add3A_94 = arith.addf %mul3A_88, %mul3A_93 : vector<1x4096xf32>
    %slice3A_95 = vector.extract_strided_slice %get3A_13 {offsets = [0, 2], sizes = [1, 1], strides = [1, 1]} : vector<4x4xf32> to vector<1x1xf32>
    %convert_element_type3A_96 = arith.truncf %slice3A_95 : vector<1x1xf32> to vector<1x1xbf16>
    %convert_element_type3A_97 = arith.extf %convert_element_type3A_96 : vector<1x1xbf16> to vector<1x1xf32>
    %mul3A_98 = vector.broadcast %convert_element_type3A_97 : vector<1x1xf32> to vector<1x4096xf32>
    %mul3A_99 = arith.mulf %mul3A_98, %convert_element_type3A_18 : vector<1x4096xf32>
    %add3A_100 = arith.addf %add3A_94, %mul3A_99 : vector<1x4096xf32>
    %slice3A_101 = vector.extract_strided_slice %get3A_13 {offsets = [0, 3], sizes = [1, 1], strides = [1, 1]} : vector<4x4xf32> to vector<1x1xf32>
    %convert_element_type3A_102 = arith.truncf %slice3A_101 : vector<1x1xf32> to vector<1x1xbf16>
    %convert_element_type3A_103 = arith.extf %convert_element_type3A_102 : vector<1x1xbf16> to vector<1x1xf32>
    %add3A_104 = vector.broadcast %convert_element_type3A_103 : vector<1x1xf32> to vector<1x4096xf32>
    %add3A_105 = arith.addf %add3A_100, %add3A_104 : vector<1x4096xf32>
    %slice3A_106 = vector.extract_strided_slice %get3A_13 {offsets = [1, 0], sizes = [1, 1], strides = [1, 1]} : vector<4x4xf32> to vector<1x1xf32>
    %convert_element_type3A_107 = arith.truncf %slice3A_106 : vector<1x1xf32> to vector<1x1xbf16>
    %convert_element_type3A_108 = arith.extf %convert_element_type3A_107 : vector<1x1xbf16> to vector<1x1xf32>
    %mul3A_109 = vector.broadcast %convert_element_type3A_108 : vector<1x1xf32> to vector<1x4096xf32>
    %mul3A_110 = arith.mulf %mul3A_109, %convert_element_type3A_14 : vector<1x4096xf32>
    %slice3A_111 = vector.extract_strided_slice %get3A_13 {offsets = [1, 1], sizes = [1, 1], strides = [1, 1]} : vector<4x4xf32> to vector<1x1xf32>
    %convert_element_type3A_112 = arith.truncf %slice3A_111 : vector<1x1xf32> to vector<1x1xbf16>
    %convert_element_type3A_113 = arith.extf %convert_element_type3A_112 : vector<1x1xbf16> to vector<1x1xf32>
    %mul3A_114 = vector.broadcast %convert_element_type3A_113 : vector<1x1xf32> to vector<1x4096xf32>
    %mul3A_115 = arith.mulf %mul3A_114, %convert_element_type3A_16 : vector<1x4096xf32>
    %add3A_116 = arith.addf %mul3A_110, %mul3A_115 : vector<1x4096xf32>
    %slice3A_117 = vector.extract_strided_slice %get3A_13 {offsets = [1, 2], sizes = [1, 1], strides = [1, 1]} : vector<4x4xf32> to vector<1x1xf32>
    %convert_element_type3A_118 = arith.truncf %slice3A_117 : vector<1x1xf32> to vector<1x1xbf16>
    %convert_element_type3A_119 = arith.extf %convert_element_type3A_118 : vector<1x1xbf16> to vector<1x1xf32>
    %mul3A_120 = vector.broadcast %convert_element_type3A_119 : vector<1x1xf32> to vector<1x4096xf32>
    %mul3A_121 = arith.mulf %mul3A_120, %convert_element_type3A_18 : vector<1x4096xf32>
    %add3A_122 = arith.addf %add3A_116, %mul3A_121 : vector<1x4096xf32>
    %slice3A_123 = vector.extract_strided_slice %get3A_13 {offsets = [1, 3], sizes = [1, 1], strides = [1, 1]} : vector<4x4xf32> to vector<1x1xf32>
    %convert_element_type3A_124 = arith.truncf %slice3A_123 : vector<1x1xf32> to vector<1x1xbf16>
    %convert_element_type3A_125 = arith.extf %convert_element_type3A_124 : vector<1x1xbf16> to vector<1x1xf32>
    %add3A_126 = vector.broadcast %convert_element_type3A_125 : vector<1x1xf32> to vector<1x4096xf32>
    %add3A_127 = arith.addf %add3A_122, %add3A_126 : vector<1x4096xf32>
    %slice3A_128 = vector.extract_strided_slice %get3A_13 {offsets = [3, 0], sizes = [1, 1], strides = [1, 1]} : vector<4x4xf32> to vector<1x1xf32>
    %convert_element_type3A_129 = arith.truncf %slice3A_128 : vector<1x1xf32> to vector<1x1xbf16>
    %convert_element_type3A_130 = arith.extf %convert_element_type3A_129 : vector<1x1xbf16> to vector<1x1xf32>
    %mul3A_131 = vector.broadcast %convert_element_type3A_130 : vector<1x1xf32> to vector<1x4096xf32>
    %mul3A_132 = arith.mulf %mul3A_131, %convert_element_type3A_14 : vector<1x4096xf32>
    %slice3A_133 = vector.extract_strided_slice %get3A_13 {offsets = [3, 1], sizes = [1, 1], strides = [1, 1]} : vector<4x4xf32> to vector<1x1xf32>
    %convert_element_type3A_134 = arith.truncf %slice3A_133 : vector<1x1xf32> to vector<1x1xbf16>
    %convert_element_type3A_135 = arith.extf %convert_element_type3A_134 : vector<1x1xbf16> to vector<1x1xf32>
    %mul3A_136 = vector.broadcast %convert_element_type3A_135 : vector<1x1xf32> to vector<1x4096xf32>
    %mul3A_137 = arith.mulf %mul3A_136, %convert_element_type3A_16 : vector<1x4096xf32>
    %add3A_138 = arith.addf %mul3A_132, %mul3A_137 : vector<1x4096xf32>
    %slice3A_139 = vector.extract_strided_slice %get3A_13 {offsets = [3, 2], sizes = [1, 1], strides = [1, 1]} : vector<4x4xf32> to vector<1x1xf32>
    %convert_element_type3A_140 = arith.truncf %slice3A_139 : vector<1x1xf32> to vector<1x1xbf16>
    %convert_element_type3A_141 = arith.extf %convert_element_type3A_140 : vector<1x1xbf16> to vector<1x1xf32>
    %mul3A_142 = vector.broadcast %convert_element_type3A_141 : vector<1x1xf32> to vector<1x4096xf32>
    %mul3A_143 = arith.mulf %mul3A_142, %convert_element_type3A_18 : vector<1x4096xf32>
    %add3A_144 = arith.addf %add3A_138, %mul3A_143 : vector<1x4096xf32>
    %slice3A_145 = vector.extract_strided_slice %get3A_13 {offsets = [3, 3], sizes = [1, 1], strides = [1, 1]} : vector<4x4xf32> to vector<1x1xf32>
    %convert_element_type3A_146 = arith.truncf %slice3A_145 : vector<1x1xf32> to vector<1x1xbf16>
    %convert_element_type3A_147 = arith.extf %convert_element_type3A_146 : vector<1x1xbf16> to vector<1x1xf32>
    %add3A_148 = vector.broadcast %convert_element_type3A_147 : vector<1x1xf32> to vector<1x4096xf32>
    %add3A_149 = arith.addf %add3A_144, %add3A_148 : vector<1x4096xf32>
    %add3A_150 = arith.constant 1.000000e-07 : f32
    %add3A_151 = vector.broadcast %add3A_150 : f32 to vector<1x4096xf32>
    %add3A_152 = arith.addf %add3A_149, %add3A_151 : vector<1x4096xf32>
    %div3A = arith.constant 1.000000e+00 : f32
    %div3A_153 = vector.broadcast %div3A : f32 to vector<1x4096xf32>
    %div3A_154 = arith.divf %div3A_153, %add3A_152 : vector<1x4096xf32>
    %mul3A_155 = arith.mulf %add3A_105, %div3A_154 : vector<1x4096xf32>
    %add3A_156 = arith.constant 1.000000e+00 : f32
    %add3A_157 = vector.broadcast %add3A_156 : f32 to vector<1x4096xf32>
    %add3A_158 = arith.addf %mul3A_155, %add3A_157 : vector<1x4096xf32>
    %mul3A_159 = arith.constant 6.400000e+01 : f32
    %mul3A_160 = vector.broadcast %mul3A_159 : f32 to vector<1x4096xf32>
    %mul3A_161 = arith.mulf %add3A_158, %mul3A_160 : vector<1x4096xf32>
    %sub3A = arith.constant 1.000000e+00 : f32
    %sub3A_162 = vector.broadcast %sub3A : f32 to vector<1x4096xf32>
    %sub3A_163 = arith.subf %mul3A_161, %sub3A_162 : vector<1x4096xf32>
    %mul3A_164 = arith.constant 5.000000e-01 : f32
    %mul3A_165 = vector.broadcast %mul3A_164 : f32 to vector<1x4096xf32>
    %mul3A_166 = arith.mulf %sub3A_163, %mul3A_165 : vector<1x4096xf32>
    %mul3A_167 = arith.mulf %add3A_127, %div3A_154 : vector<1x4096xf32>
    %add3A_168 = arith.constant 1.000000e+00 : f32
    %add3A_169 = vector.broadcast %add3A_168 : f32 to vector<1x4096xf32>
    %add3A_170 = arith.addf %mul3A_167, %add3A_169 : vector<1x4096xf32>
    %mul3A_171 = arith.constant 6.400000e+01 : f32
    %mul3A_172 = vector.broadcast %mul3A_171 : f32 to vector<1x4096xf32>
    %mul3A_173 = arith.mulf %add3A_170, %mul3A_172 : vector<1x4096xf32>
    %sub3A_174 = arith.constant 1.000000e+00 : f32
    %sub3A_175 = vector.broadcast %sub3A_174 : f32 to vector<1x4096xf32>
    %sub3A_176 = arith.subf %mul3A_173, %sub3A_175 : vector<1x4096xf32>
    %mul3A_177 = arith.constant 5.000000e-01 : f32
    %mul3A_178 = vector.broadcast %mul3A_177 : f32 to vector<1x4096xf32>
    %mul3A_179 = arith.mulf %sub3A_176, %mul3A_178 : vector<1x4096xf32>
    %get3A_180 = arith.constant 0 : index
    %get3A_181 = arith.constant 0 : index
    %get3A_182 = vector.load %arg4[%get3A_180, %get3A_181] : memref<4x4096xf32, #tpu.memory_space<vmem>>, vector<1x4096xf32>
    %get3A_183 = arith.constant 1 : index
    %get3A_184 = arith.constant 0 : index
    %get3A_185 = vector.load %arg4[%get3A_183, %get3A_184] : memref<4x4096xf32, #tpu.memory_space<vmem>>, vector<1x4096xf32>
    %get3A_186 = arith.constant 2 : index
    %get3A_187 = arith.constant 0 : index
    %get3A_188 = vector.load %arg4[%get3A_186, %get3A_187] : memref<4x4096xf32, #tpu.memory_space<vmem>>, vector<1x4096xf32>
    %get3A_189 = arith.constant 3 : index
    %get3A_190 = arith.constant 0 : index
    %get3A_191 = vector.load %arg4[%get3A_189, %get3A_190] : memref<4x4096xf32, #tpu.memory_space<vmem>>, vector<1x4096xf32>
    %mul3A_192 = arith.mulf %get3A_182, %get3A_182 : vector<1x4096xf32>
    %mul3A_193 = arith.mulf %get3A_185, %get3A_185 : vector<1x4096xf32>
    %add3A_194 = arith.addf %mul3A_192, %mul3A_193 : vector<1x4096xf32>
    %mul3A_195 = arith.mulf %get3A_188, %get3A_188 : vector<1x4096xf32>
    %add3A_196 = arith.addf %add3A_194, %mul3A_195 : vector<1x4096xf32>
    %mul3A_197 = arith.mulf %get3A_191, %get3A_191 : vector<1x4096xf32>
    %add3A_198 = arith.addf %add3A_196, %mul3A_197 : vector<1x4096xf32>
    %sqrt3A = math.sqrt %add3A_198 : vector<1x4096xf32>
    %add3A_199 = arith.constant 9.99999996E-13 : f32
    %add3A_200 = vector.broadcast %add3A_199 : f32 to vector<1x4096xf32>
    %add3A_201 = arith.addf %sqrt3A, %add3A_200 : vector<1x4096xf32>
    %div3A_202 = arith.divf %get3A_182, %add3A_201 : vector<1x4096xf32>
    %div3A_203 = arith.divf %get3A_185, %add3A_201 : vector<1x4096xf32>
    %div3A_204 = arith.divf %get3A_188, %add3A_201 : vector<1x4096xf32>
    %div3A_205 = arith.divf %get3A_191, %add3A_201 : vector<1x4096xf32>
    %get3A_206 = arith.constant 0 : index
    %get3A_207 = arith.constant 0 : index
    %get3A_208 = vector.load %arg3[%get3A_206, %get3A_207] : memref<3x4096xf32, #tpu.memory_space<vmem>>, vector<1x4096xf32>
    %get3A_209 = arith.constant 1 : index
    %get3A_210 = arith.constant 0 : index
    %get3A_211 = vector.load %arg3[%get3A_209, %get3A_210] : memref<3x4096xf32, #tpu.memory_space<vmem>>, vector<1x4096xf32>
    %get3A_212 = arith.constant 2 : index
    %get3A_213 = arith.constant 0 : index
    %get3A_214 = vector.load %arg3[%get3A_212, %get3A_213] : memref<3x4096xf32, #tpu.memory_space<vmem>>, vector<1x4096xf32>
    %mul3A_215 = arith.mulf %div3A_204, %div3A_204 : vector<1x4096xf32>
    %mul3A_216 = arith.mulf %div3A_205, %div3A_205 : vector<1x4096xf32>
    %add3A_217 = arith.addf %mul3A_215, %mul3A_216 : vector<1x4096xf32>
    %mul3A_218 = arith.constant 2.000000e+00 : f32
    %mul3A_219 = vector.broadcast %mul3A_218 : f32 to vector<1x4096xf32>
    %mul3A_220 = arith.mulf %mul3A_219, %add3A_217 : vector<1x4096xf32>
    %sub3A_221 = arith.constant 1.000000e+00 : f32
    %sub3A_222 = vector.broadcast %sub3A_221 : f32 to vector<1x4096xf32>
    %sub3A_223 = arith.subf %sub3A_222, %mul3A_220 : vector<1x4096xf32>
    %mul3A_224 = arith.mulf %div3A_203, %div3A_204 : vector<1x4096xf32>
    %mul3A_225 = arith.mulf %div3A_202, %div3A_205 : vector<1x4096xf32>
    %sub3A_226 = arith.subf %mul3A_224, %mul3A_225 : vector<1x4096xf32>
    %mul3A_227 = arith.constant 2.000000e+00 : f32
    %mul3A_228 = vector.broadcast %mul3A_227 : f32 to vector<1x4096xf32>
    %mul3A_229 = arith.mulf %mul3A_228, %sub3A_226 : vector<1x4096xf32>
    %mul3A_230 = arith.mulf %div3A_203, %div3A_205 : vector<1x4096xf32>
    %mul3A_231 = arith.mulf %div3A_202, %div3A_204 : vector<1x4096xf32>
    %add3A_232 = arith.addf %mul3A_230, %mul3A_231 : vector<1x4096xf32>
    %mul3A_233 = arith.constant 2.000000e+00 : f32
    %mul3A_234 = vector.broadcast %mul3A_233 : f32 to vector<1x4096xf32>
    %mul3A_235 = arith.mulf %mul3A_234, %add3A_232 : vector<1x4096xf32>
    %mul3A_236 = arith.mulf %div3A_203, %div3A_204 : vector<1x4096xf32>
    %mul3A_237 = arith.mulf %div3A_202, %div3A_205 : vector<1x4096xf32>
    %add3A_238 = arith.addf %mul3A_236, %mul3A_237 : vector<1x4096xf32>
    %mul3A_239 = arith.constant 2.000000e+00 : f32
    %mul3A_240 = vector.broadcast %mul3A_239 : f32 to vector<1x4096xf32>
    %mul3A_241 = arith.mulf %mul3A_240, %add3A_238 : vector<1x4096xf32>
    %mul3A_242 = arith.mulf %div3A_203, %div3A_203 : vector<1x4096xf32>
    %mul3A_243 = arith.mulf %div3A_205, %div3A_205 : vector<1x4096xf32>
    %add3A_244 = arith.addf %mul3A_242, %mul3A_243 : vector<1x4096xf32>
    %mul3A_245 = arith.constant 2.000000e+00 : f32
    %mul3A_246 = vector.broadcast %mul3A_245 : f32 to vector<1x4096xf32>
    %mul3A_247 = arith.mulf %mul3A_246, %add3A_244 : vector<1x4096xf32>
    %sub3A_248 = arith.constant 1.000000e+00 : f32
    %sub3A_249 = vector.broadcast %sub3A_248 : f32 to vector<1x4096xf32>
    %sub3A_250 = arith.subf %sub3A_249, %mul3A_247 : vector<1x4096xf32>
    %mul3A_251 = arith.mulf %div3A_204, %div3A_205 : vector<1x4096xf32>
    %mul3A_252 = arith.mulf %div3A_202, %div3A_203 : vector<1x4096xf32>
    %sub3A_253 = arith.subf %mul3A_251, %mul3A_252 : vector<1x4096xf32>
    %mul3A_254 = arith.constant 2.000000e+00 : f32
    %mul3A_255 = vector.broadcast %mul3A_254 : f32 to vector<1x4096xf32>
    %mul3A_256 = arith.mulf %mul3A_255, %sub3A_253 : vector<1x4096xf32>
    %mul3A_257 = arith.mulf %div3A_203, %div3A_205 : vector<1x4096xf32>
    %mul3A_258 = arith.mulf %div3A_202, %div3A_204 : vector<1x4096xf32>
    %sub3A_259 = arith.subf %mul3A_257, %mul3A_258 : vector<1x4096xf32>
    %mul3A_260 = arith.constant 2.000000e+00 : f32
    %mul3A_261 = vector.broadcast %mul3A_260 : f32 to vector<1x4096xf32>
    %mul3A_262 = arith.mulf %mul3A_261, %sub3A_259 : vector<1x4096xf32>
    %mul3A_263 = arith.mulf %div3A_204, %div3A_205 : vector<1x4096xf32>
    %mul3A_264 = arith.mulf %div3A_202, %div3A_203 : vector<1x4096xf32>
    %add3A_265 = arith.addf %mul3A_263, %mul3A_264 : vector<1x4096xf32>
    %mul3A_266 = arith.constant 2.000000e+00 : f32
    %mul3A_267 = vector.broadcast %mul3A_266 : f32 to vector<1x4096xf32>
    %mul3A_268 = arith.mulf %mul3A_267, %add3A_265 : vector<1x4096xf32>
    %mul3A_269 = arith.mulf %div3A_203, %div3A_203 : vector<1x4096xf32>
    %mul3A_270 = arith.mulf %div3A_204, %div3A_204 : vector<1x4096xf32>
    %add3A_271 = arith.addf %mul3A_269, %mul3A_270 : vector<1x4096xf32>
    %mul3A_272 = arith.constant 2.000000e+00 : f32
    %mul3A_273 = vector.broadcast %mul3A_272 : f32 to vector<1x4096xf32>
    %mul3A_274 = arith.mulf %mul3A_273, %add3A_271 : vector<1x4096xf32>
    %sub3A_275 = arith.constant 1.000000e+00 : f32
    %sub3A_276 = vector.broadcast %sub3A_275 : f32 to vector<1x4096xf32>
    %sub3A_277 = arith.subf %sub3A_276, %mul3A_274 : vector<1x4096xf32>
    %mul3A_278 = arith.mulf %sub3A_223, %get3A_208 : vector<1x4096xf32>
    %convert_element_type3A_279 = arith.truncf %mul3A_278 : vector<1x4096xf32> to vector<1x4096xbf16>
    %convert_element_type3A_280 = arith.extf %convert_element_type3A_279 : vector<1x4096xbf16> to vector<1x4096xf32>
    %mul3A_281 = arith.mulf %mul3A_229, %get3A_211 : vector<1x4096xf32>
    %convert_element_type3A_282 = arith.truncf %mul3A_281 : vector<1x4096xf32> to vector<1x4096xbf16>
    %convert_element_type3A_283 = arith.extf %convert_element_type3A_282 : vector<1x4096xbf16> to vector<1x4096xf32>
    %mul3A_284 = arith.mulf %mul3A_235, %get3A_214 : vector<1x4096xf32>
    %convert_element_type3A_285 = arith.truncf %mul3A_284 : vector<1x4096xf32> to vector<1x4096xbf16>
    %convert_element_type3A_286 = arith.extf %convert_element_type3A_285 : vector<1x4096xbf16> to vector<1x4096xf32>
    %mul3A_287 = arith.mulf %mul3A_241, %get3A_208 : vector<1x4096xf32>
    %convert_element_type3A_288 = arith.truncf %mul3A_287 : vector<1x4096xf32> to vector<1x4096xbf16>
    %convert_element_type3A_289 = arith.extf %convert_element_type3A_288 : vector<1x4096xbf16> to vector<1x4096xf32>
    %mul3A_290 = arith.mulf %sub3A_250, %get3A_211 : vector<1x4096xf32>
    %convert_element_type3A_291 = arith.truncf %mul3A_290 : vector<1x4096xf32> to vector<1x4096xbf16>
    %convert_element_type3A_292 = arith.extf %convert_element_type3A_291 : vector<1x4096xbf16> to vector<1x4096xf32>
    %mul3A_293 = arith.mulf %mul3A_256, %get3A_214 : vector<1x4096xf32>
    %convert_element_type3A_294 = arith.truncf %mul3A_293 : vector<1x4096xf32> to vector<1x4096xbf16>
    %convert_element_type3A_295 = arith.extf %convert_element_type3A_294 : vector<1x4096xbf16> to vector<1x4096xf32>
    %mul3A_296 = arith.mulf %mul3A_262, %get3A_208 : vector<1x4096xf32>
    %convert_element_type3A_297 = arith.truncf %mul3A_296 : vector<1x4096xf32> to vector<1x4096xbf16>
    %convert_element_type3A_298 = arith.extf %convert_element_type3A_297 : vector<1x4096xbf16> to vector<1x4096xf32>
    %mul3A_299 = arith.mulf %mul3A_268, %get3A_211 : vector<1x4096xf32>
    %convert_element_type3A_300 = arith.truncf %mul3A_299 : vector<1x4096xf32> to vector<1x4096xbf16>
    %convert_element_type3A_301 = arith.extf %convert_element_type3A_300 : vector<1x4096xbf16> to vector<1x4096xf32>
    %mul3A_302 = arith.mulf %sub3A_277, %get3A_214 : vector<1x4096xf32>
    %convert_element_type3A_303 = arith.truncf %mul3A_302 : vector<1x4096xf32> to vector<1x4096xbf16>
    %convert_element_type3A_304 = arith.extf %convert_element_type3A_303 : vector<1x4096xbf16> to vector<1x4096xf32>
    %mul3A_305 = arith.mulf %convert_element_type3A_280, %convert_element_type3A_280 : vector<1x4096xf32>
    %mul3A_306 = arith.mulf %convert_element_type3A_283, %convert_element_type3A_283 : vector<1x4096xf32>
    %add3A_307 = arith.addf %mul3A_305, %mul3A_306 : vector<1x4096xf32>
    %mul3A_308 = arith.mulf %convert_element_type3A_286, %convert_element_type3A_286 : vector<1x4096xf32>
    %add3A_309 = arith.addf %add3A_307, %mul3A_308 : vector<1x4096xf32>
    %mul3A_310 = arith.mulf %convert_element_type3A_280, %convert_element_type3A_289 : vector<1x4096xf32>
    %mul3A_311 = arith.mulf %convert_element_type3A_283, %convert_element_type3A_292 : vector<1x4096xf32>
    %add3A_312 = arith.addf %mul3A_310, %mul3A_311 : vector<1x4096xf32>
    %mul3A_313 = arith.mulf %convert_element_type3A_286, %convert_element_type3A_295 : vector<1x4096xf32>
    %add3A_314 = arith.addf %add3A_312, %mul3A_313 : vector<1x4096xf32>
    %mul3A_315 = arith.mulf %convert_element_type3A_280, %convert_element_type3A_298 : vector<1x4096xf32>
    %mul3A_316 = arith.mulf %convert_element_type3A_283, %convert_element_type3A_301 : vector<1x4096xf32>
    %add3A_317 = arith.addf %mul3A_315, %mul3A_316 : vector<1x4096xf32>
    %mul3A_318 = arith.mulf %convert_element_type3A_286, %convert_element_type3A_304 : vector<1x4096xf32>
    %add3A_319 = arith.addf %add3A_317, %mul3A_318 : vector<1x4096xf32>
    %mul3A_320 = arith.mulf %convert_element_type3A_289, %convert_element_type3A_289 : vector<1x4096xf32>
    %mul3A_321 = arith.mulf %convert_element_type3A_292, %convert_element_type3A_292 : vector<1x4096xf32>
    %add3A_322 = arith.addf %mul3A_320, %mul3A_321 : vector<1x4096xf32>
    %mul3A_323 = arith.mulf %convert_element_type3A_295, %convert_element_type3A_295 : vector<1x4096xf32>
    %add3A_324 = arith.addf %add3A_322, %mul3A_323 : vector<1x4096xf32>
    %mul3A_325 = arith.mulf %convert_element_type3A_289, %convert_element_type3A_298 : vector<1x4096xf32>
    %mul3A_326 = arith.mulf %convert_element_type3A_292, %convert_element_type3A_301 : vector<1x4096xf32>
    %add3A_327 = arith.addf %mul3A_325, %mul3A_326 : vector<1x4096xf32>
    %mul3A_328 = arith.mulf %convert_element_type3A_295, %convert_element_type3A_304 : vector<1x4096xf32>
    %add3A_329 = arith.addf %add3A_327, %mul3A_328 : vector<1x4096xf32>
    %mul3A_330 = arith.mulf %convert_element_type3A_298, %convert_element_type3A_298 : vector<1x4096xf32>
    %mul3A_331 = arith.mulf %convert_element_type3A_301, %convert_element_type3A_301 : vector<1x4096xf32>
    %add3A_332 = arith.addf %mul3A_330, %mul3A_331 : vector<1x4096xf32>
    %mul3A_333 = arith.mulf %convert_element_type3A_304, %convert_element_type3A_304 : vector<1x4096xf32>
    %add3A_334 = arith.addf %add3A_332, %mul3A_333 : vector<1x4096xf32>
    %div3A_335 = arith.divf %add3A_37, %select_n3A : vector<1x4096xf32>
    %jit3A_336 = arith.constant -0.750555336 : f32
    %jit3A_337 = arith.constant 0.750555336 : f32
    %max3A = vector.broadcast %jit3A_336 : f32 to vector<1x4096xf32>
    %max3A_338 = arith.maximumf %max3A, %div3A_335 : vector<1x4096xf32>
    %min3A = vector.broadcast %jit3A_337 : f32 to vector<1x4096xf32>
    %min3A_339 = arith.minimumf %min3A, %max3A_338 : vector<1x4096xf32>
    %mul3A_340 = arith.mulf %min3A_339, %select_n3A : vector<1x4096xf32>
    %div3A_341 = arith.divf %add3A_59, %select_n3A : vector<1x4096xf32>
    %jit3A_342 = arith.constant -0.750555336 : f32
    %jit3A_343 = arith.constant 0.750555336 : f32
    %max3A_344 = vector.broadcast %jit3A_342 : f32 to vector<1x4096xf32>
    %max3A_345 = arith.maximumf %max3A_344, %div3A_341 : vector<1x4096xf32>
    %min3A_346 = vector.broadcast %jit3A_343 : f32 to vector<1x4096xf32>
    %min3A_347 = arith.minimumf %min3A_346, %max3A_345 : vector<1x4096xf32>
    %mul3A_348 = arith.mulf %min3A_347, %select_n3A : vector<1x4096xf32>
    %div3A_349 = arith.constant 1.000000e+00 : f32
    %div3A_350 = vector.broadcast %div3A_349 : f32 to vector<1x4096xf32>
    %div3A_351 = arith.divf %div3A_350, %select_n3A : vector<1x4096xf32>
    %mul3A_352 = arith.constant 55.4256248 : f32
    %mul3A_353 = vector.broadcast %mul3A_352 : f32 to vector<1x4096xf32>
    %mul3A_354 = arith.mulf %mul3A_353, %div3A_351 : vector<1x4096xf32>
    %mul3A_355 = arith.constant -55.4256248 : f32
    %mul3A_356 = vector.broadcast %mul3A_355 : f32 to vector<1x4096xf32>
    %mul3A_357 = arith.mulf %mul3A_356, %mul3A_340 : vector<1x4096xf32>
    %mul3A_358 = arith.mulf %mul3A_357, %div3A_351 : vector<1x4096xf32>
    %mul3A_359 = arith.mulf %mul3A_358, %div3A_351 : vector<1x4096xf32>
    %mul3A_360 = arith.constant 55.4256248 : f32
    %mul3A_361 = vector.broadcast %mul3A_360 : f32 to vector<1x4096xf32>
    %mul3A_362 = arith.mulf %mul3A_361, %div3A_351 : vector<1x4096xf32>
    %mul3A_363 = arith.constant -55.4256248 : f32
    %mul3A_364 = vector.broadcast %mul3A_363 : f32 to vector<1x4096xf32>
    %mul3A_365 = arith.mulf %mul3A_364, %mul3A_348 : vector<1x4096xf32>
    %mul3A_366 = arith.mulf %mul3A_365, %div3A_351 : vector<1x4096xf32>
    %mul3A_367 = arith.mulf %mul3A_366, %div3A_351 : vector<1x4096xf32>
    %convert_element_type3A_368 = arith.truncf %mul3A_354 : vector<1x4096xf32> to vector<1x4096xbf16>
    %convert_element_type3A_369 = arith.extf %convert_element_type3A_368 : vector<1x4096xbf16> to vector<1x4096xf32>
    %convert_element_type3A_370 = arith.truncf %mul3A_359 : vector<1x4096xf32> to vector<1x4096xbf16>
    %convert_element_type3A_371 = arith.extf %convert_element_type3A_370 : vector<1x4096xbf16> to vector<1x4096xf32>
    %convert_element_type3A_372 = arith.truncf %mul3A_362 : vector<1x4096xf32> to vector<1x4096xbf16>
    %convert_element_type3A_373 = arith.extf %convert_element_type3A_372 : vector<1x4096xbf16> to vector<1x4096xf32>
    %convert_element_type3A_374 = arith.truncf %mul3A_367 : vector<1x4096xf32> to vector<1x4096xbf16>
    %convert_element_type3A_375 = arith.extf %convert_element_type3A_374 : vector<1x4096xbf16> to vector<1x4096xf32>
    %convert_element_type3A_376 = arith.truncf %get3A_10 : vector<4x4xf32> to vector<4x4xbf16>
    %convert_element_type3A_377 = arith.extf %convert_element_type3A_376 : vector<4x4xbf16> to vector<4x4xf32>
    %slice3A_378 = vector.extract_strided_slice %convert_element_type3A_377 {offsets = [0, 0], sizes = [1, 1], strides = [1, 1]} : vector<4x4xf32> to vector<1x1xf32>
    %mul3A_379 = vector.broadcast %slice3A_378 : vector<1x1xf32> to vector<1x4096xf32>
    %mul3A_380 = arith.mulf %convert_element_type3A_369, %mul3A_379 : vector<1x4096xf32>
    %slice3A_381 = vector.extract_strided_slice %convert_element_type3A_377 {offsets = [2, 0], sizes = [1, 1], strides = [1, 1]} : vector<4x4xf32> to vector<1x1xf32>
    %mul3A_382 = vector.broadcast %slice3A_381 : vector<1x1xf32> to vector<1x4096xf32>
    %mul3A_383 = arith.mulf %convert_element_type3A_371, %mul3A_382 : vector<1x4096xf32>
    %add3A_384 = arith.addf %mul3A_380, %mul3A_383 : vector<1x4096xf32>
    %slice3A_385 = vector.extract_strided_slice %convert_element_type3A_377 {offsets = [0, 1], sizes = [1, 1], strides = [1, 1]} : vector<4x4xf32> to vector<1x1xf32>
    %mul3A_386 = vector.broadcast %slice3A_385 : vector<1x1xf32> to vector<1x4096xf32>
    %mul3A_387 = arith.mulf %convert_element_type3A_369, %mul3A_386 : vector<1x4096xf32>
    %slice3A_388 = vector.extract_strided_slice %convert_element_type3A_377 {offsets = [2, 1], sizes = [1, 1], strides = [1, 1]} : vector<4x4xf32> to vector<1x1xf32>
    %mul3A_389 = vector.broadcast %slice3A_388 : vector<1x1xf32> to vector<1x4096xf32>
    %mul3A_390 = arith.mulf %convert_element_type3A_371, %mul3A_389 : vector<1x4096xf32>
    %add3A_391 = arith.addf %mul3A_387, %mul3A_390 : vector<1x4096xf32>
    %slice3A_392 = vector.extract_strided_slice %convert_element_type3A_377 {offsets = [0, 2], sizes = [1, 1], strides = [1, 1]} : vector<4x4xf32> to vector<1x1xf32>
    %mul3A_393 = vector.broadcast %slice3A_392 : vector<1x1xf32> to vector<1x4096xf32>
    %mul3A_394 = arith.mulf %convert_element_type3A_369, %mul3A_393 : vector<1x4096xf32>
    %slice3A_395 = vector.extract_strided_slice %convert_element_type3A_377 {offsets = [2, 2], sizes = [1, 1], strides = [1, 1]} : vector<4x4xf32> to vector<1x1xf32>
    %mul3A_396 = vector.broadcast %slice3A_395 : vector<1x1xf32> to vector<1x4096xf32>
    %mul3A_397 = arith.mulf %convert_element_type3A_371, %mul3A_396 : vector<1x4096xf32>
    %add3A_398 = arith.addf %mul3A_394, %mul3A_397 : vector<1x4096xf32>
    %slice3A_399 = vector.extract_strided_slice %convert_element_type3A_377 {offsets = [1, 0], sizes = [1, 1], strides = [1, 1]} : vector<4x4xf32> to vector<1x1xf32>
    %mul3A_400 = vector.broadcast %slice3A_399 : vector<1x1xf32> to vector<1x4096xf32>
    %mul3A_401 = arith.mulf %convert_element_type3A_373, %mul3A_400 : vector<1x4096xf32>
    %slice3A_402 = vector.extract_strided_slice %convert_element_type3A_377 {offsets = [2, 0], sizes = [1, 1], strides = [1, 1]} : vector<4x4xf32> to vector<1x1xf32>
    %mul3A_403 = vector.broadcast %slice3A_402 : vector<1x1xf32> to vector<1x4096xf32>
    %mul3A_404 = arith.mulf %convert_element_type3A_375, %mul3A_403 : vector<1x4096xf32>
    %add3A_405 = arith.addf %mul3A_401, %mul3A_404 : vector<1x4096xf32>
    %slice3A_406 = vector.extract_strided_slice %convert_element_type3A_377 {offsets = [1, 1], sizes = [1, 1], strides = [1, 1]} : vector<4x4xf32> to vector<1x1xf32>
    %mul3A_407 = vector.broadcast %slice3A_406 : vector<1x1xf32> to vector<1x4096xf32>
    %mul3A_408 = arith.mulf %convert_element_type3A_373, %mul3A_407 : vector<1x4096xf32>
    %slice3A_409 = vector.extract_strided_slice %convert_element_type3A_377 {offsets = [2, 1], sizes = [1, 1], strides = [1, 1]} : vector<4x4xf32> to vector<1x1xf32>
    %mul3A_410 = vector.broadcast %slice3A_409 : vector<1x1xf32> to vector<1x4096xf32>
    %mul3A_411 = arith.mulf %convert_element_type3A_375, %mul3A_410 : vector<1x4096xf32>
    %add3A_412 = arith.addf %mul3A_408, %mul3A_411 : vector<1x4096xf32>
    %slice3A_413 = vector.extract_strided_slice %convert_element_type3A_377 {offsets = [1, 2], sizes = [1, 1], strides = [1, 1]} : vector<4x4xf32> to vector<1x1xf32>
    %mul3A_414 = vector.broadcast %slice3A_413 : vector<1x1xf32> to vector<1x4096xf32>
    %mul3A_415 = arith.mulf %convert_element_type3A_373, %mul3A_414 : vector<1x4096xf32>
    %slice3A_416 = vector.extract_strided_slice %convert_element_type3A_377 {offsets = [2, 2], sizes = [1, 1], strides = [1, 1]} : vector<4x4xf32> to vector<1x1xf32>
    %mul3A_417 = vector.broadcast %slice3A_416 : vector<1x1xf32> to vector<1x4096xf32>
    %mul3A_418 = arith.mulf %convert_element_type3A_375, %mul3A_417 : vector<1x4096xf32>
    %add3A_419 = arith.addf %mul3A_415, %mul3A_418 : vector<1x4096xf32>
    %convert_element_type3A_420 = arith.truncf %add3A_384 : vector<1x4096xf32> to vector<1x4096xbf16>
    %convert_element_type3A_421 = arith.extf %convert_element_type3A_420 : vector<1x4096xbf16> to vector<1x4096xf32>
    %convert_element_type3A_422 = arith.truncf %add3A_391 : vector<1x4096xf32> to vector<1x4096xbf16>
    %convert_element_type3A_423 = arith.extf %convert_element_type3A_422 : vector<1x4096xbf16> to vector<1x4096xf32>
    %convert_element_type3A_424 = arith.truncf %add3A_398 : vector<1x4096xf32> to vector<1x4096xbf16>
    %convert_element_type3A_425 = arith.extf %convert_element_type3A_424 : vector<1x4096xbf16> to vector<1x4096xf32>
    %convert_element_type3A_426 = arith.truncf %add3A_405 : vector<1x4096xf32> to vector<1x4096xbf16>
    %convert_element_type3A_427 = arith.extf %convert_element_type3A_426 : vector<1x4096xbf16> to vector<1x4096xf32>
    %convert_element_type3A_428 = arith.truncf %add3A_412 : vector<1x4096xf32> to vector<1x4096xbf16>
    %convert_element_type3A_429 = arith.extf %convert_element_type3A_428 : vector<1x4096xbf16> to vector<1x4096xf32>
    %convert_element_type3A_430 = arith.truncf %add3A_419 : vector<1x4096xf32> to vector<1x4096xbf16>
    %convert_element_type3A_431 = arith.extf %convert_element_type3A_430 : vector<1x4096xbf16> to vector<1x4096xf32>
    %convert_element_type3A_432 = arith.truncf %add3A_309 : vector<1x4096xf32> to vector<1x4096xbf16>
    %convert_element_type3A_433 = arith.extf %convert_element_type3A_432 : vector<1x4096xbf16> to vector<1x4096xf32>
    %convert_element_type3A_434 = arith.truncf %add3A_314 : vector<1x4096xf32> to vector<1x4096xbf16>
    %convert_element_type3A_435 = arith.extf %convert_element_type3A_434 : vector<1x4096xbf16> to vector<1x4096xf32>
    %convert_element_type3A_436 = arith.truncf %add3A_319 : vector<1x4096xf32> to vector<1x4096xbf16>
    %convert_element_type3A_437 = arith.extf %convert_element_type3A_436 : vector<1x4096xbf16> to vector<1x4096xf32>
    %convert_element_type3A_438 = arith.truncf %add3A_324 : vector<1x4096xf32> to vector<1x4096xbf16>
    %convert_element_type3A_439 = arith.extf %convert_element_type3A_438 : vector<1x4096xbf16> to vector<1x4096xf32>
    %convert_element_type3A_440 = arith.truncf %add3A_329 : vector<1x4096xf32> to vector<1x4096xbf16>
    %convert_element_type3A_441 = arith.extf %convert_element_type3A_440 : vector<1x4096xbf16> to vector<1x4096xf32>
    %convert_element_type3A_442 = arith.truncf %add3A_334 : vector<1x4096xf32> to vector<1x4096xbf16>
    %convert_element_type3A_443 = arith.extf %convert_element_type3A_442 : vector<1x4096xbf16> to vector<1x4096xf32>
    %mul3A_444 = arith.mulf %convert_element_type3A_421, %convert_element_type3A_433 : vector<1x4096xf32>
    %mul3A_445 = arith.mulf %convert_element_type3A_423, %convert_element_type3A_435 : vector<1x4096xf32>
    %add3A_446 = arith.addf %mul3A_444, %mul3A_445 : vector<1x4096xf32>
    %mul3A_447 = arith.mulf %convert_element_type3A_425, %convert_element_type3A_437 : vector<1x4096xf32>
    %add3A_448 = arith.addf %add3A_446, %mul3A_447 : vector<1x4096xf32>
    %mul3A_449 = arith.mulf %convert_element_type3A_421, %convert_element_type3A_435 : vector<1x4096xf32>
    %mul3A_450 = arith.mulf %convert_element_type3A_423, %convert_element_type3A_439 : vector<1x4096xf32>
    %add3A_451 = arith.addf %mul3A_449, %mul3A_450 : vector<1x4096xf32>
    %mul3A_452 = arith.mulf %convert_element_type3A_425, %convert_element_type3A_441 : vector<1x4096xf32>
    %add3A_453 = arith.addf %add3A_451, %mul3A_452 : vector<1x4096xf32>
    %mul3A_454 = arith.mulf %convert_element_type3A_421, %convert_element_type3A_437 : vector<1x4096xf32>
    %mul3A_455 = arith.mulf %convert_element_type3A_423, %convert_element_type3A_441 : vector<1x4096xf32>
    %add3A_456 = arith.addf %mul3A_454, %mul3A_455 : vector<1x4096xf32>
    %mul3A_457 = arith.mulf %convert_element_type3A_425, %convert_element_type3A_443 : vector<1x4096xf32>
    %add3A_458 = arith.addf %add3A_456, %mul3A_457 : vector<1x4096xf32>
    %mul3A_459 = arith.mulf %convert_element_type3A_427, %convert_element_type3A_433 : vector<1x4096xf32>
    %mul3A_460 = arith.mulf %convert_element_type3A_429, %convert_element_type3A_435 : vector<1x4096xf32>
    %add3A_461 = arith.addf %mul3A_459, %mul3A_460 : vector<1x4096xf32>
    %mul3A_462 = arith.mulf %convert_element_type3A_431, %convert_element_type3A_437 : vector<1x4096xf32>
    %add3A_463 = arith.addf %add3A_461, %mul3A_462 : vector<1x4096xf32>
    %mul3A_464 = arith.mulf %convert_element_type3A_427, %convert_element_type3A_435 : vector<1x4096xf32>
    %mul3A_465 = arith.mulf %convert_element_type3A_429, %convert_element_type3A_439 : vector<1x4096xf32>
    %add3A_466 = arith.addf %mul3A_464, %mul3A_465 : vector<1x4096xf32>
    %mul3A_467 = arith.mulf %convert_element_type3A_431, %convert_element_type3A_441 : vector<1x4096xf32>
    %add3A_468 = arith.addf %add3A_466, %mul3A_467 : vector<1x4096xf32>
    %mul3A_469 = arith.mulf %convert_element_type3A_427, %convert_element_type3A_437 : vector<1x4096xf32>
    %mul3A_470 = arith.mulf %convert_element_type3A_429, %convert_element_type3A_441 : vector<1x4096xf32>
    %add3A_471 = arith.addf %mul3A_469, %mul3A_470 : vector<1x4096xf32>
    %mul3A_472 = arith.mulf %convert_element_type3A_431, %convert_element_type3A_443 : vector<1x4096xf32>
    %add3A_473 = arith.addf %add3A_471, %mul3A_472 : vector<1x4096xf32>
    %convert_element_type3A_474 = arith.truncf %add3A_448 : vector<1x4096xf32> to vector<1x4096xbf16>
    %convert_element_type3A_475 = arith.extf %convert_element_type3A_474 : vector<1x4096xbf16> to vector<1x4096xf32>
    %convert_element_type3A_476 = arith.truncf %add3A_453 : vector<1x4096xf32> to vector<1x4096xbf16>
    %convert_element_type3A_477 = arith.extf %convert_element_type3A_476 : vector<1x4096xbf16> to vector<1x4096xf32>
    %convert_element_type3A_478 = arith.truncf %add3A_458 : vector<1x4096xf32> to vector<1x4096xbf16>
    %convert_element_type3A_479 = arith.extf %convert_element_type3A_478 : vector<1x4096xbf16> to vector<1x4096xf32>
    %convert_element_type3A_480 = arith.truncf %add3A_463 : vector<1x4096xf32> to vector<1x4096xbf16>
    %convert_element_type3A_481 = arith.extf %convert_element_type3A_480 : vector<1x4096xbf16> to vector<1x4096xf32>
    %convert_element_type3A_482 = arith.truncf %add3A_468 : vector<1x4096xf32> to vector<1x4096xbf16>
    %convert_element_type3A_483 = arith.extf %convert_element_type3A_482 : vector<1x4096xbf16> to vector<1x4096xf32>
    %convert_element_type3A_484 = arith.truncf %add3A_473 : vector<1x4096xf32> to vector<1x4096xbf16>
    %convert_element_type3A_485 = arith.extf %convert_element_type3A_484 : vector<1x4096xbf16> to vector<1x4096xf32>
    %mul3A_486 = arith.mulf %convert_element_type3A_475, %convert_element_type3A_421 : vector<1x4096xf32>
    %mul3A_487 = arith.mulf %convert_element_type3A_477, %convert_element_type3A_423 : vector<1x4096xf32>
    %add3A_488 = arith.addf %mul3A_486, %mul3A_487 : vector<1x4096xf32>
    %mul3A_489 = arith.mulf %convert_element_type3A_479, %convert_element_type3A_425 : vector<1x4096xf32>
    %add3A_490 = arith.addf %add3A_488, %mul3A_489 : vector<1x4096xf32>
    %mul3A_491 = arith.mulf %convert_element_type3A_475, %convert_element_type3A_427 : vector<1x4096xf32>
    %mul3A_492 = arith.mulf %convert_element_type3A_477, %convert_element_type3A_429 : vector<1x4096xf32>
    %add3A_493 = arith.addf %mul3A_491, %mul3A_492 : vector<1x4096xf32>
    %mul3A_494 = arith.mulf %convert_element_type3A_479, %convert_element_type3A_431 : vector<1x4096xf32>
    %add3A_495 = arith.addf %add3A_493, %mul3A_494 : vector<1x4096xf32>
    %mul3A_496 = arith.mulf %convert_element_type3A_481, %convert_element_type3A_427 : vector<1x4096xf32>
    %mul3A_497 = arith.mulf %convert_element_type3A_483, %convert_element_type3A_429 : vector<1x4096xf32>
    %add3A_498 = arith.addf %mul3A_496, %mul3A_497 : vector<1x4096xf32>
    %mul3A_499 = arith.mulf %convert_element_type3A_485, %convert_element_type3A_431 : vector<1x4096xf32>
    %add3A_500 = arith.addf %add3A_498, %mul3A_499 : vector<1x4096xf32>
    %add3A_501 = arith.constant 3.000000e-01 : f32
    %add3A_502 = vector.broadcast %add3A_501 : f32 to vector<1x4096xf32>
    %add3A_503 = arith.addf %add3A_490, %add3A_502 : vector<1x4096xf32>
    %add3A_504 = arith.constant 3.000000e-01 : f32
    %add3A_505 = vector.broadcast %add3A_504 : f32 to vector<1x4096xf32>
    %add3A_506 = arith.addf %add3A_500, %add3A_505 : vector<1x4096xf32>
    %mul3A_507 = arith.mulf %add3A_503, %add3A_506 : vector<1x4096xf32>
    %mul3A_508 = arith.mulf %add3A_495, %add3A_495 : vector<1x4096xf32>
    %sub3A_509 = arith.subf %mul3A_507, %mul3A_508 : vector<1x4096xf32>
    %gt3A_510 = arith.constant 0.000000e+00 : f32
    %gt3A_511 = vector.broadcast %gt3A_510 : f32 to vector<1x4096xf32>
    %gt3A_512 = arith.cmpf ogt, %sub3A_509, %gt3A_511 : vector<1x4096xf32>
    %and3A = arith.andi %gt3A_512, %gt3A_83 : vector<1x4096xi1>
    %gt3A_513 = arith.constant 0.000000e+00 : f32
    %gt3A_514 = vector.broadcast %gt3A_513 : f32 to vector<1x4096xf32>
    %gt3A_515 = arith.cmpf ogt, %sub3A_509, %gt3A_514 : vector<1x4096xf32>
    %jit3A_516 = arith.constant 1.000000e+00 : f32
    %broadcast_in_dim3A_517 = vector.broadcast %jit3A_516 : f32 to vector<1x4096xf32>
    %select_n3A_518 = arith.select %gt3A_515, %sub3A_509, %broadcast_in_dim3A_517 : vector<1x4096xi1>, vector<1x4096xf32>
    %gt3A_519 = arith.constant 0.000000e+00 : f32
    %gt3A_520 = vector.broadcast %gt3A_519 : f32 to vector<1x4096xf32>
    %gt3A_521 = arith.cmpf ogt, %sub3A_509, %gt3A_520 : vector<1x4096xf32>
    %div3A_522 = arith.constant 1.000000e+00 : f32
    %div3A_523 = vector.broadcast %div3A_522 : f32 to vector<1x4096xf32>
    %div3A_524 = arith.divf %div3A_523, %select_n3A_518 : vector<1x4096xf32>
    %jit3A_525 = arith.constant 0.000000e+00 : f32
    %broadcast_in_dim3A_526 = vector.broadcast %jit3A_525 : f32 to vector<1x4096xf32>
    %select_n3A_527 = arith.select %gt3A_521, %div3A_524, %broadcast_in_dim3A_526 : vector<1x4096xi1>, vector<1x4096xf32>
    %mul3A_528 = arith.mulf %add3A_506, %select_n3A_527 : vector<1x4096xf32>
    %neg3A = arith.constant 0.000000e+00 : f32
    %neg3A_529 = vector.broadcast %neg3A : f32 to vector<1x4096xf32>
    %neg3A_530 = arith.subf %neg3A_529, %add3A_495 : vector<1x4096xf32>
    %mul3A_531 = arith.mulf %neg3A_530, %select_n3A_527 : vector<1x4096xf32>
    %mul3A_532 = arith.mulf %add3A_503, %select_n3A_527 : vector<1x4096xf32>
    %add3A_533 = arith.addf %add3A_503, %add3A_506 : vector<1x4096xf32>
    %mul3A_534 = arith.constant 5.000000e-01 : f32
    %mul3A_535 = vector.broadcast %mul3A_534 : f32 to vector<1x4096xf32>
    %mul3A_536 = arith.mulf %mul3A_535, %add3A_533 : vector<1x4096xf32>
    %mul3A_537 = arith.mulf %mul3A_536, %mul3A_536 : vector<1x4096xf32>
    %sub3A_538 = arith.subf %mul3A_537, %sub3A_509 : vector<1x4096xf32>
    %max3A_539 = arith.constant 1.000000e-01 : f32
    %max3A_540 = vector.broadcast %max3A_539 : f32 to vector<1x4096xf32>
    %max3A_541 = arith.maximumf %sub3A_538, %max3A_540 : vector<1x4096xf32>
    %sqrt3A_542 = math.sqrt %max3A_541 : vector<1x4096xf32>
    %add3A_543 = arith.addf %mul3A_536, %sqrt3A_542 : vector<1x4096xf32>
    %sqrt3A_544 = math.sqrt %add3A_543 : vector<1x4096xf32>
    %mul3A_545 = arith.constant 3.000000e+00 : f32
    %mul3A_546 = vector.broadcast %mul3A_545 : f32 to vector<1x4096xf32>
    %mul3A_547 = arith.mulf %mul3A_546, %sqrt3A_544 : vector<1x4096xf32>
    %ceil3A = math.ceil %mul3A_547 : vector<1x4096xf32>
    %jit3A_548 = arith.constant 0.000000e+00 : f32
    %broadcast_in_dim3A_549 = vector.broadcast %jit3A_548 : f32 to vector<1x4096xf32>
    %select_n3A_550 = arith.select %and3A, %ceil3A, %broadcast_in_dim3A_549 : vector<1x4096xi1>, vector<1x4096xf32>
    %convert_element_type3A_551 = arith.fptosi %select_n3A_550 : vector<1x4096xf32> to vector<1x4096xi32>
    %swap3A = arith.constant 0 : index
    %swap3A_552 = arith.constant 0 : index
    %swap3A_553 = vector.load %arg10[%swap3A, %swap3A_552] : memref<1x4096xi32, #tpu.memory_space<vmem>>, vector<1x4096xi32>
    tpu.vector_store %arg10[%swap3A, %swap3A_552], %convert_element_type3A_551 {strides = array<i32>} : memref<1x4096xi32, #tpu.memory_space<vmem>>, vector<1x4096xi32>,
    %get3A_554 = arith.constant 0 : index
    %get3A_555 = arith.constant 0 : index
    %get3A_556 = vector.load %arg7[%get3A_554, %get3A_555] : memref<3x1xf32, #tpu.memory_space<vmem>>, vector<1x1xf32>
    %sub3A_557 = vector.broadcast %get3A_556 : vector<1x1xf32> to vector<1x4096xf32>
    %sub3A_558 = arith.subf %get3A_1, %sub3A_557 : vector<1x4096xf32>
    %get3A_559 = arith.constant 1 : index
    %get3A_560 = arith.constant 0 : index
    %get3A_561 = vector.load %arg7[%get3A_559, %get3A_560] : memref<3x1xf32, #tpu.memory_space<vmem>>, vector<1x1xf32>
    %sub3A_562 = vector.broadcast %get3A_561 : vector<1x1xf32> to vector<1x4096xf32>
    %sub3A_563 = arith.subf %get3A_4, %sub3A_562 : vector<1x4096xf32>
    %get3A_564 = arith.constant 2 : index
    %get3A_565 = arith.constant 0 : index
    %get3A_566 = vector.load %arg7[%get3A_564, %get3A_565] : memref<3x1xf32, #tpu.memory_space<vmem>>, vector<1x1xf32>
    %sub3A_567 = vector.broadcast %get3A_566 : vector<1x1xf32> to vector<1x4096xf32>
    %sub3A_568 = arith.subf %get3A_7, %sub3A_567 : vector<1x4096xf32>
    %mul3A_569 = arith.mulf %sub3A_558, %sub3A_558 : vector<1x4096xf32>
    %mul3A_570 = arith.mulf %sub3A_563, %sub3A_563 : vector<1x4096xf32>
    %add3A_571 = arith.addf %mul3A_569, %mul3A_570 : vector<1x4096xf32>
    %mul3A_572 = arith.mulf %sub3A_568, %sub3A_568 : vector<1x4096xf32>
    %add3A_573 = arith.addf %add3A_571, %mul3A_572 : vector<1x4096xf32>
    %sqrt3A_574 = math.sqrt %add3A_573 : vector<1x4096xf32>
    %add3A_575 = arith.constant 9.99999996E-13 : f32
    %add3A_576 = vector.broadcast %add3A_575 : f32 to vector<1x4096xf32>
    %add3A_577 = arith.addf %sqrt3A_574, %add3A_576 : vector<1x4096xf32>
    %div3A_578 = arith.divf %sub3A_558, %add3A_577 : vector<1x4096xf32>
    %div3A_579 = arith.divf %sub3A_563, %add3A_577 : vector<1x4096xf32>
    %div3A_580 = arith.divf %sub3A_568, %add3A_577 : vector<1x4096xf32>
    %mul3A_581 = arith.mulf %div3A_578, %div3A_578 : vector<1x4096xf32>
    %mul3A_582 = arith.mulf %div3A_579, %div3A_579 : vector<1x4096xf32>
    %mul3A_583 = arith.mulf %div3A_580, %div3A_580 : vector<1x4096xf32>
    %mul3A_584 = arith.mulf %div3A_578, %div3A_579 : vector<1x4096xf32>
    %mul3A_585 = arith.mulf %div3A_579, %div3A_580 : vector<1x4096xf32>
    %mul3A_586 = arith.mulf %div3A_578, %div3A_580 : vector<1x4096xf32>
    %get3A_587 = arith.constant 0 : index
    %get3A_588 = arith.constant 0 : index
    %get3A_589 = vector.load %arg1[%get3A_587, %get3A_588] : memref<1x4096xf32, #tpu.memory_space<vmem>>, vector<1x4096xf32>
    %jit3A_590 = arith.constant 0.000000e+00 : f32
    %broadcast_in_dim3A_591 = vector.broadcast %jit3A_590 : f32 to vector<1x4096xf32>
    %select_n3A_592 = arith.select %and3A, %get3A_589, %broadcast_in_dim3A_591 : vector<1x4096xi1>, vector<1x4096xf32>
    %get3A_593 = arith.constant 0 : index
    %get3A_594 = arith.constant 0 : index
    %get3A_595 = vector.load %arg1[%get3A_593, %get3A_594] : memref<1x4096xf32, #tpu.memory_space<vmem>>, vector<1x4096xf32>
    %jit3A_596 = arith.constant 0.000000e+00 : f32
    %broadcast_in_dim3A_597 = vector.broadcast %jit3A_596 : f32 to vector<1x4096xf32>
    %select_n3A_598 = arith.select %and3A, %get3A_595, %broadcast_in_dim3A_597 : vector<1x4096xi1>, vector<1x4096xf32>
    %log3A = math.log %select_n3A_598 : vector<1x4096xf32>
    %log3A_599 = arith.constant 2.000000e+00 : f32
    %log3A_600 = math.log %log3A_599 : f32
    %div3A_601 = vector.broadcast %log3A_600 : f32 to vector<1x4096xf32>
    %div3A_602 = arith.divf %log3A, %div3A_601 : vector<1x4096xf32>
    %mul3A_603 = arith.mulf %mul3A_528, %mul3A_166 : vector<1x4096xf32>
    %mul3A_604 = arith.mulf %mul3A_603, %mul3A_166 : vector<1x4096xf32>
    %mul3A_605 = arith.mulf %mul3A_532, %mul3A_179 : vector<1x4096xf32>
    %mul3A_606 = arith.mulf %mul3A_605, %mul3A_179 : vector<1x4096xf32>
    %add3A_607 = arith.addf %mul3A_604, %mul3A_606 : vector<1x4096xf32>
    %mul3A_608 = arith.constant -5.000000e-01 : f32
    %mul3A_609 = vector.broadcast %mul3A_608 : f32 to vector<1x4096xf32>
    %mul3A_610 = arith.mulf %mul3A_609, %add3A_607 : vector<1x4096xf32>
    %mul3A_611 = arith.mulf %mul3A_531, %mul3A_166 : vector<1x4096xf32>
    %mul3A_612 = arith.mulf %mul3A_611, %mul3A_179 : vector<1x4096xf32>
    %sub3A_613 = arith.subf %mul3A_610, %mul3A_612 : vector<1x4096xf32>
    %mul3A_614 = arith.constant 1.44269502 : f32
    %mul3A_615 = vector.broadcast %mul3A_614 : f32 to vector<1x4096xf32>
    %mul3A_616 = arith.mulf %mul3A_615, %sub3A_613 : vector<1x4096xf32>
    %add3A_617 = arith.addf %mul3A_616, %div3A_602 : vector<1x4096xf32>
    %swap3A_618 = arith.constant 0 : index
    %swap3A_619 = arith.constant 0 : index
    %swap3A_620 = vector.load %arg8[%swap3A_618, %swap3A_619] : memref<16x4096xf32, #tpu.memory_space<vmem>>, vector<1x4096xf32>
    tpu.vector_store %arg8[%swap3A_618, %swap3A_619], %add3A_617 {strides = array<i32>} : memref<16x4096xf32, #tpu.memory_space<vmem>>, vector<1x4096xf32>,
    %mul3A_621 = arith.mulf %mul3A_528, %mul3A_166 : vector<1x4096xf32>
    %mul3A_622 = arith.mulf %mul3A_531, %mul3A_179 : vector<1x4096xf32>
    %add3A_623 = arith.addf %mul3A_621, %mul3A_622 : vector<1x4096xf32>
    %mul3A_624 = arith.constant 1.44269502 : f32
    %mul3A_625 = vector.broadcast %mul3A_624 : f32 to vector<1x4096xf32>
    %mul3A_626 = arith.mulf %mul3A_625, %add3A_623 : vector<1x4096xf32>
    %swap3A_627 = arith.constant 1 : index
    %swap3A_628 = arith.constant 0 : index
    %swap3A_629 = vector.load %arg8[%swap3A_627, %swap3A_628] : memref<16x4096xf32, #tpu.memory_space<vmem>>, vector<1x4096xf32>
    tpu.vector_store %arg8[%swap3A_627, %swap3A_628], %mul3A_626 {strides = array<i32>} : memref<16x4096xf32, #tpu.memory_space<vmem>>, vector<1x4096xf32>,
    %mul3A_630 = arith.mulf %mul3A_532, %mul3A_179 : vector<1x4096xf32>
    %mul3A_631 = arith.mulf %mul3A_531, %mul3A_166 : vector<1x4096xf32>
    %add3A_632 = arith.addf %mul3A_630, %mul3A_631 : vector<1x4096xf32>
    %mul3A_633 = arith.constant 1.44269502 : f32
    %mul3A_634 = vector.broadcast %mul3A_633 : f32 to vector<1x4096xf32>
    %mul3A_635 = arith.mulf %mul3A_634, %add3A_632 : vector<1x4096xf32>
    %swap3A_636 = arith.constant 2 : index
    %swap3A_637 = arith.constant 0 : index
    %swap3A_638 = vector.load %arg8[%swap3A_636, %swap3A_637] : memref<16x4096xf32, #tpu.memory_space<vmem>>, vector<1x4096xf32>
    tpu.vector_store %arg8[%swap3A_636, %swap3A_637], %mul3A_635 {strides = array<i32>} : memref<16x4096xf32, #tpu.memory_space<vmem>>, vector<1x4096xf32>,
    %mul3A_639 = arith.constant -5.000000e-01 : f32
    %mul3A_640 = vector.broadcast %mul3A_639 : f32 to vector<1x4096xf32>
    %mul3A_641 = arith.mulf %mul3A_640, %mul3A_528 : vector<1x4096xf32>
    %mul3A_642 = arith.constant 1.44269502 : f32
    %mul3A_643 = vector.broadcast %mul3A_642 : f32 to vector<1x4096xf32>
    %mul3A_644 = arith.mulf %mul3A_643, %mul3A_641 : vector<1x4096xf32>
    %swap3A_645 = arith.constant 3 : index
    %swap3A_646 = arith.constant 0 : index
    %swap3A_647 = vector.load %arg8[%swap3A_645, %swap3A_646] : memref<16x4096xf32, #tpu.memory_space<vmem>>, vector<1x4096xf32>
    tpu.vector_store %arg8[%swap3A_645, %swap3A_646], %mul3A_644 {strides = array<i32>} : memref<16x4096xf32, #tpu.memory_space<vmem>>, vector<1x4096xf32>,
    %mul3A_648 = arith.constant -5.000000e-01 : f32
    %mul3A_649 = vector.broadcast %mul3A_648 : f32 to vector<1x4096xf32>
    %mul3A_650 = arith.mulf %mul3A_649, %mul3A_532 : vector<1x4096xf32>
    %mul3A_651 = arith.constant 1.44269502 : f32
    %mul3A_652 = vector.broadcast %mul3A_651 : f32 to vector<1x4096xf32>
    %mul3A_653 = arith.mulf %mul3A_652, %mul3A_650 : vector<1x4096xf32>
    %swap3A_654 = arith.constant 4 : index
    %swap3A_655 = arith.constant 0 : index
    %swap3A_656 = vector.load %arg8[%swap3A_654, %swap3A_655] : memref<16x4096xf32, #tpu.memory_space<vmem>>, vector<1x4096xf32>
    tpu.vector_store %arg8[%swap3A_654, %swap3A_655], %mul3A_653 {strides = array<i32>} : memref<16x4096xf32, #tpu.memory_space<vmem>>, vector<1x4096xf32>,
    %neg3A_657 = arith.constant 0.000000e+00 : f32
    %neg3A_658 = vector.broadcast %neg3A_657 : f32 to vector<1x4096xf32>
    %neg3A_659 = arith.subf %neg3A_658, %mul3A_531 : vector<1x4096xf32>
    %mul3A_660 = arith.constant 1.44269502 : f32
    %mul3A_661 = vector.broadcast %mul3A_660 : f32 to vector<1x4096xf32>
    %mul3A_662 = arith.mulf %mul3A_661, %neg3A_659 : vector<1x4096xf32>
    %swap3A_663 = arith.constant 5 : index
    %swap3A_664 = arith.constant 0 : index
    %swap3A_665 = vector.load %arg8[%swap3A_663, %swap3A_664] : memref<16x4096xf32, #tpu.memory_space<vmem>>, vector<1x4096xf32>
    tpu.vector_store %arg8[%swap3A_663, %swap3A_664], %mul3A_662 {strides = array<i32>} : memref<16x4096xf32, #tpu.memory_space<vmem>>, vector<1x4096xf32>,
    %get3A_666 = arith.constant 0 : index
    %get3A_667 = arith.constant 0 : index
    %get3A_668 = vector.load %arg2[%get3A_666, %get3A_667] : memref<48x4096xf32, #tpu.memory_space<vmem>>, vector<1x4096xf32>
    %mul3A_669 = arith.constant 0.282094806 : f32
    %mul3A_670 = vector.broadcast %mul3A_669 : f32 to vector<1x4096xf32>
    %mul3A_671 = arith.mulf %mul3A_670, %get3A_668 : vector<1x4096xf32>
    %mul3A_672 = arith.constant 0.488602519 : f32
    %mul3A_673 = vector.broadcast %mul3A_672 : f32 to vector<1x4096xf32>
    %mul3A_674 = arith.mulf %mul3A_673, %div3A_579 : vector<1x4096xf32>
    %get3A_675 = arith.constant 1 : index
    %get3A_676 = arith.constant 0 : index
    %get3A_677 = vector.load %arg2[%get3A_675, %get3A_676] : memref<48x4096xf32, #tpu.memory_space<vmem>>, vector<1x4096xf32>
    %mul3A_678 = arith.mulf %mul3A_674, %get3A_677 : vector<1x4096xf32>
    %sub3A_679 = arith.subf %mul3A_671, %mul3A_678 : vector<1x4096xf32>
    %mul3A_680 = arith.constant 0.488602519 : f32
    %mul3A_681 = vector.broadcast %mul3A_680 : f32 to vector<1x4096xf32>
    %mul3A_682 = arith.mulf %mul3A_681, %div3A_580 : vector<1x4096xf32>
    %get3A_683 = arith.constant 2 : index
    %get3A_684 = arith.constant 0 : index
    %get3A_685 = vector.load %arg2[%get3A_683, %get3A_684] : memref<48x4096xf32, #tpu.memory_space<vmem>>, vector<1x4096xf32>
    %mul3A_686 = arith.mulf %mul3A_682, %get3A_685 : vector<1x4096xf32>
    %add3A_687 = arith.addf %sub3A_679, %mul3A_686 : vector<1x4096xf32>
    %mul3A_688 = arith.constant 0.488602519 : f32
    %mul3A_689 = vector.broadcast %mul3A_688 : f32 to vector<1x4096xf32>
    %mul3A_690 = arith.mulf %mul3A_689, %div3A_578 : vector<1x4096xf32>
    %get3A_691 = arith.constant 3 : index
    %get3A_692 = arith.constant 0 : index
    %get3A_693 = vector.load %arg2[%get3A_691, %get3A_692] : memref<48x4096xf32, #tpu.memory_space<vmem>>, vector<1x4096xf32>
    %mul3A_694 = arith.mulf %mul3A_690, %get3A_693 : vector<1x4096xf32>
    %sub3A_695 = arith.subf %add3A_687, %mul3A_694 : vector<1x4096xf32>
    %mul3A_696 = arith.constant 1.09254849 : f32
    %mul3A_697 = vector.broadcast %mul3A_696 : f32 to vector<1x4096xf32>
    %mul3A_698 = arith.mulf %mul3A_697, %mul3A_584 : vector<1x4096xf32>
    %get3A_699 = arith.constant 4 : index
    %get3A_700 = arith.constant 0 : index
    %get3A_701 = vector.load %arg2[%get3A_699, %get3A_700] : memref<48x4096xf32, #tpu.memory_space<vmem>>, vector<1x4096xf32>
    %mul3A_702 = arith.mulf %mul3A_698, %get3A_701 : vector<1x4096xf32>
    %add3A_703 = arith.addf %sub3A_695, %mul3A_702 : vector<1x4096xf32>
    %mul3A_704 = arith.constant -1.09254849 : f32
    %mul3A_705 = vector.broadcast %mul3A_704 : f32 to vector<1x4096xf32>
    %mul3A_706 = arith.mulf %mul3A_705, %mul3A_585 : vector<1x4096xf32>
    %get3A_707 = arith.constant 5 : index
    %get3A_708 = arith.constant 0 : index
    %get3A_709 = vector.load %arg2[%get3A_707, %get3A_708] : memref<48x4096xf32, #tpu.memory_space<vmem>>, vector<1x4096xf32>
    %mul3A_710 = arith.mulf %mul3A_706, %get3A_709 : vector<1x4096xf32>
    %add3A_711 = arith.addf %add3A_703, %mul3A_710 : vector<1x4096xf32>
    %mul3A_712 = arith.constant 2.000000e+00 : f32
    %mul3A_713 = vector.broadcast %mul3A_712 : f32 to vector<1x4096xf32>
    %mul3A_714 = arith.mulf %mul3A_713, %mul3A_583 : vector<1x4096xf32>
    %sub3A_715 = arith.subf %mul3A_714, %mul3A_581 : vector<1x4096xf32>
    %sub3A_716 = arith.subf %sub3A_715, %mul3A_582 : vector<1x4096xf32>
    %mul3A_717 = arith.constant 0.31539157 : f32
    %mul3A_718 = vector.broadcast %mul3A_717 : f32 to vector<1x4096xf32>
    %mul3A_719 = arith.mulf %mul3A_718, %sub3A_716 : vector<1x4096xf32>
    %get3A_720 = arith.constant 6 : index
    %get3A_721 = arith.constant 0 : index
    %get3A_722 = vector.load %arg2[%get3A_720, %get3A_721] : memref<48x4096xf32, #tpu.memory_space<vmem>>, vector<1x4096xf32>
    %mul3A_723 = arith.mulf %mul3A_719, %get3A_722 : vector<1x4096xf32>
    %add3A_724 = arith.addf %add3A_711, %mul3A_723 : vector<1x4096xf32>
    %mul3A_725 = arith.constant -1.09254849 : f32
    %mul3A_726 = vector.broadcast %mul3A_725 : f32 to vector<1x4096xf32>
    %mul3A_727 = arith.mulf %mul3A_726, %mul3A_586 : vector<1x4096xf32>
    %get3A_728 = arith.constant 7 : index
    %get3A_729 = arith.constant 0 : index
    %get3A_730 = vector.load %arg2[%get3A_728, %get3A_729] : memref<48x4096xf32, #tpu.memory_space<vmem>>, vector<1x4096xf32>
    %mul3A_731 = arith.mulf %mul3A_727, %get3A_730 : vector<1x4096xf32>
    %add3A_732 = arith.addf %add3A_724, %mul3A_731 : vector<1x4096xf32>
    %sub3A_733 = arith.subf %mul3A_581, %mul3A_582 : vector<1x4096xf32>
    %mul3A_734 = arith.constant 0.546274245 : f32
    %mul3A_735 = vector.broadcast %mul3A_734 : f32 to vector<1x4096xf32>
    %mul3A_736 = arith.mulf %mul3A_735, %sub3A_733 : vector<1x4096xf32>
    %get3A_737 = arith.constant 8 : index
    %get3A_738 = arith.constant 0 : index
    %get3A_739 = vector.load %arg2[%get3A_737, %get3A_738] : memref<48x4096xf32, #tpu.memory_space<vmem>>, vector<1x4096xf32>
    %mul3A_740 = arith.mulf %mul3A_736, %get3A_739 : vector<1x4096xf32>
    %add3A_741 = arith.addf %add3A_732, %mul3A_740 : vector<1x4096xf32>
    %mul3A_742 = arith.constant -0.590043604 : f32
    %mul3A_743 = vector.broadcast %mul3A_742 : f32 to vector<1x4096xf32>
    %mul3A_744 = arith.mulf %mul3A_743, %div3A_579 : vector<1x4096xf32>
    %mul3A_745 = arith.constant 3.000000e+00 : f32
    %mul3A_746 = vector.broadcast %mul3A_745 : f32 to vector<1x4096xf32>
    %mul3A_747 = arith.mulf %mul3A_746, %mul3A_581 : vector<1x4096xf32>
    %sub3A_748 = arith.subf %mul3A_747, %mul3A_582 : vector<1x4096xf32>
    %mul3A_749 = arith.mulf %mul3A_744, %sub3A_748 : vector<1x4096xf32>
    %get3A_750 = arith.constant 9 : index
    %get3A_751 = arith.constant 0 : index
    %get3A_752 = vector.load %arg2[%get3A_750, %get3A_751] : memref<48x4096xf32, #tpu.memory_space<vmem>>, vector<1x4096xf32>
    %mul3A_753 = arith.mulf %mul3A_749, %get3A_752 : vector<1x4096xf32>
    %add3A_754 = arith.addf %add3A_741, %mul3A_753 : vector<1x4096xf32>
    %mul3A_755 = arith.constant 2.89061141 : f32
    %mul3A_756 = vector.broadcast %mul3A_755 : f32 to vector<1x4096xf32>
    %mul3A_757 = arith.mulf %mul3A_756, %mul3A_584 : vector<1x4096xf32>
    %mul3A_758 = arith.mulf %mul3A_757, %div3A_580 : vector<1x4096xf32>
    %get3A_759 = arith.constant 10 : index
    %get3A_760 = arith.constant 0 : index
    %get3A_761 = vector.load %arg2[%get3A_759, %get3A_760] : memref<48x4096xf32, #tpu.memory_space<vmem>>, vector<1x4096xf32>
    %mul3A_762 = arith.mulf %mul3A_758, %get3A_761 : vector<1x4096xf32>
    %add3A_763 = arith.addf %add3A_754, %mul3A_762 : vector<1x4096xf32>
    %mul3A_764 = arith.constant -0.457045794 : f32
    %mul3A_765 = vector.broadcast %mul3A_764 : f32 to vector<1x4096xf32>
    %mul3A_766 = arith.mulf %mul3A_765, %div3A_579 : vector<1x4096xf32>
    %mul3A_767 = arith.constant 4.000000e+00 : f32
    %mul3A_768 = vector.broadcast %mul3A_767 : f32 to vector<1x4096xf32>
    %mul3A_769 = arith.mulf %mul3A_768, %mul3A_583 : vector<1x4096xf32>
    %sub3A_770 = arith.subf %mul3A_769, %mul3A_581 : vector<1x4096xf32>
    %sub3A_771 = arith.subf %sub3A_770, %mul3A_582 : vector<1x4096xf32>
    %mul3A_772 = arith.mulf %mul3A_766, %sub3A_771 : vector<1x4096xf32>
    %get3A_773 = arith.constant 11 : index
    %get3A_774 = arith.constant 0 : index
    %get3A_775 = vector.load %arg2[%get3A_773, %get3A_774] : memref<48x4096xf32, #tpu.memory_space<vmem>>, vector<1x4096xf32>
    %mul3A_776 = arith.mulf %mul3A_772, %get3A_775 : vector<1x4096xf32>
    %add3A_777 = arith.addf %add3A_763, %mul3A_776 : vector<1x4096xf32>
    %mul3A_778 = arith.constant 0.373176336 : f32
    %mul3A_779 = vector.broadcast %mul3A_778 : f32 to vector<1x4096xf32>
    %mul3A_780 = arith.mulf %mul3A_779, %div3A_580 : vector<1x4096xf32>
    %mul3A_781 = arith.constant 2.000000e+00 : f32
    %mul3A_782 = vector.broadcast %mul3A_781 : f32 to vector<1x4096xf32>
    %mul3A_783 = arith.mulf %mul3A_782, %mul3A_583 : vector<1x4096xf32>
    %mul3A_784 = arith.constant 3.000000e+00 : f32
    %mul3A_785 = vector.broadcast %mul3A_784 : f32 to vector<1x4096xf32>
    %mul3A_786 = arith.mulf %mul3A_785, %mul3A_581 : vector<1x4096xf32>
    %sub3A_787 = arith.subf %mul3A_783, %mul3A_786 : vector<1x4096xf32>
    %mul3A_788 = arith.constant 3.000000e+00 : f32
    %mul3A_789 = vector.broadcast %mul3A_788 : f32 to vector<1x4096xf32>
    %mul3A_790 = arith.mulf %mul3A_789, %mul3A_582 : vector<1x4096xf32>
    %sub3A_791 = arith.subf %sub3A_787, %mul3A_790 : vector<1x4096xf32>
    %mul3A_792 = arith.mulf %mul3A_780, %sub3A_791 : vector<1x4096xf32>
    %get3A_793 = arith.constant 12 : index
    %get3A_794 = arith.constant 0 : index
    %get3A_795 = vector.load %arg2[%get3A_793, %get3A_794] : memref<48x4096xf32, #tpu.memory_space<vmem>>, vector<1x4096xf32>
    %mul3A_796 = arith.mulf %mul3A_792, %get3A_795 : vector<1x4096xf32>
    %add3A_797 = arith.addf %add3A_777, %mul3A_796 : vector<1x4096xf32>
    %mul3A_798 = arith.constant -0.457045794 : f32
    %mul3A_799 = vector.broadcast %mul3A_798 : f32 to vector<1x4096xf32>
    %mul3A_800 = arith.mulf %mul3A_799, %div3A_578 : vector<1x4096xf32>
    %mul3A_801 = arith.constant 4.000000e+00 : f32
    %mul3A_802 = vector.broadcast %mul3A_801 : f32 to vector<1x4096xf32>
    %mul3A_803 = arith.mulf %mul3A_802, %mul3A_583 : vector<1x4096xf32>
    %sub3A_804 = arith.subf %mul3A_803, %mul3A_581 : vector<1x4096xf32>
    %sub3A_805 = arith.subf %sub3A_804, %mul3A_582 : vector<1x4096xf32>
    %mul3A_806 = arith.mulf %mul3A_800, %sub3A_805 : vector<1x4096xf32>
    %get3A_807 = arith.constant 13 : index
    %get3A_808 = arith.constant 0 : index
    %get3A_809 = vector.load %arg2[%get3A_807, %get3A_808] : memref<48x4096xf32, #tpu.memory_space<vmem>>, vector<1x4096xf32>
    %mul3A_810 = arith.mulf %mul3A_806, %get3A_809 : vector<1x4096xf32>
    %add3A_811 = arith.addf %add3A_797, %mul3A_810 : vector<1x4096xf32>
    %mul3A_812 = arith.constant 1.44530571 : f32
    %mul3A_813 = vector.broadcast %mul3A_812 : f32 to vector<1x4096xf32>
    %mul3A_814 = arith.mulf %mul3A_813, %div3A_580 : vector<1x4096xf32>
    %sub3A_815 = arith.subf %mul3A_581, %mul3A_582 : vector<1x4096xf32>
    %mul3A_816 = arith.mulf %mul3A_814, %sub3A_815 : vector<1x4096xf32>
    %get3A_817 = arith.constant 14 : index
    %get3A_818 = arith.constant 0 : index
    %get3A_819 = vector.load %arg2[%get3A_817, %get3A_818] : memref<48x4096xf32, #tpu.memory_space<vmem>>, vector<1x4096xf32>
    %mul3A_820 = arith.mulf %mul3A_816, %get3A_819 : vector<1x4096xf32>
    %add3A_821 = arith.addf %add3A_811, %mul3A_820 : vector<1x4096xf32>
    %mul3A_822 = arith.constant -0.590043604 : f32
    %mul3A_823 = vector.broadcast %mul3A_822 : f32 to vector<1x4096xf32>
    %mul3A_824 = arith.mulf %mul3A_823, %div3A_578 : vector<1x4096xf32>
    %mul3A_825 = arith.constant 3.000000e+00 : f32
    %mul3A_826 = vector.broadcast %mul3A_825 : f32 to vector<1x4096xf32>
    %mul3A_827 = arith.mulf %mul3A_826, %mul3A_582 : vector<1x4096xf32>
    %sub3A_828 = arith.subf %mul3A_581, %mul3A_827 : vector<1x4096xf32>
    %mul3A_829 = arith.mulf %mul3A_824, %sub3A_828 : vector<1x4096xf32>
    %get3A_830 = arith.constant 15 : index
    %get3A_831 = arith.constant 0 : index
    %get3A_832 = vector.load %arg2[%get3A_830, %get3A_831] : memref<48x4096xf32, #tpu.memory_space<vmem>>, vector<1x4096xf32>
    %mul3A_833 = arith.mulf %mul3A_829, %get3A_832 : vector<1x4096xf32>
    %add3A_834 = arith.addf %add3A_821, %mul3A_833 : vector<1x4096xf32>
    %add3A_835 = arith.constant 5.000000e-01 : f32
    %add3A_836 = vector.broadcast %add3A_835 : f32 to vector<1x4096xf32>
    %add3A_837 = arith.addf %add3A_834, %add3A_836 : vector<1x4096xf32>
    %max3A_838 = arith.constant 0.000000e+00 : f32
    %max3A_839 = vector.broadcast %max3A_838 : f32 to vector<1x4096xf32>
    %max3A_840 = arith.maximumf %add3A_837, %max3A_839 : vector<1x4096xf32>
    %swap3A_841 = arith.constant 7 : index
    %swap3A_842 = arith.constant 0 : index
    %swap3A_843 = vector.load %arg8[%swap3A_841, %swap3A_842] : memref<16x4096xf32, #tpu.memory_space<vmem>>, vector<1x4096xf32>
    tpu.vector_store %arg8[%swap3A_841, %swap3A_842], %max3A_840 {strides = array<i32>} : memref<16x4096xf32, #tpu.memory_space<vmem>>, vector<1x4096xf32>,
    %get3A_844 = arith.constant 16 : index
    %get3A_845 = arith.constant 0 : index
    %get3A_846 = vector.load %arg2[%get3A_844, %get3A_845] : memref<48x4096xf32, #tpu.memory_space<vmem>>, vector<1x4096xf32>
    %mul3A_847 = arith.constant 0.282094806 : f32
    %mul3A_848 = vector.broadcast %mul3A_847 : f32 to vector<1x4096xf32>
    %mul3A_849 = arith.mulf %mul3A_848, %get3A_846 : vector<1x4096xf32>
    %mul3A_850 = arith.constant 0.488602519 : f32
    %mul3A_851 = vector.broadcast %mul3A_850 : f32 to vector<1x4096xf32>
    %mul3A_852 = arith.mulf %mul3A_851, %div3A_579 : vector<1x4096xf32>
    %get3A_853 = arith.constant 17 : index
    %get3A_854 = arith.constant 0 : index
    %get3A_855 = vector.load %arg2[%get3A_853, %get3A_854] : memref<48x4096xf32, #tpu.memory_space<vmem>>, vector<1x4096xf32>
    %mul3A_856 = arith.mulf %mul3A_852, %get3A_855 : vector<1x4096xf32>
    %sub3A_857 = arith.subf %mul3A_849, %mul3A_856 : vector<1x4096xf32>
    %mul3A_858 = arith.constant 0.488602519 : f32
    %mul3A_859 = vector.broadcast %mul3A_858 : f32 to vector<1x4096xf32>
    %mul3A_860 = arith.mulf %mul3A_859, %div3A_580 : vector<1x4096xf32>
    %get3A_861 = arith.constant 18 : index
    %get3A_862 = arith.constant 0 : index
    %get3A_863 = vector.load %arg2[%get3A_861, %get3A_862] : memref<48x4096xf32, #tpu.memory_space<vmem>>, vector<1x4096xf32>
    %mul3A_864 = arith.mulf %mul3A_860, %get3A_863 : vector<1x4096xf32>
    %add3A_865 = arith.addf %sub3A_857, %mul3A_864 : vector<1x4096xf32>
    %mul3A_866 = arith.constant 0.488602519 : f32
    %mul3A_867 = vector.broadcast %mul3A_866 : f32 to vector<1x4096xf32>
    %mul3A_868 = arith.mulf %mul3A_867, %div3A_578 : vector<1x4096xf32>
    %get3A_869 = arith.constant 19 : index
    %get3A_870 = arith.constant 0 : index
    %get3A_871 = vector.load %arg2[%get3A_869, %get3A_870] : memref<48x4096xf32, #tpu.memory_space<vmem>>, vector<1x4096xf32>
    %mul3A_872 = arith.mulf %mul3A_868, %get3A_871 : vector<1x4096xf32>
    %sub3A_873 = arith.subf %add3A_865, %mul3A_872 : vector<1x4096xf32>
    %mul3A_874 = arith.constant 1.09254849 : f32
    %mul3A_875 = vector.broadcast %mul3A_874 : f32 to vector<1x4096xf32>
    %mul3A_876 = arith.mulf %mul3A_875, %mul3A_584 : vector<1x4096xf32>
    %get3A_877 = arith.constant 20 : index
    %get3A_878 = arith.constant 0 : index
    %get3A_879 = vector.load %arg2[%get3A_877, %get3A_878] : memref<48x4096xf32, #tpu.memory_space<vmem>>, vector<1x4096xf32>
    %mul3A_880 = arith.mulf %mul3A_876, %get3A_879 : vector<1x4096xf32>
    %add3A_881 = arith.addf %sub3A_873, %mul3A_880 : vector<1x4096xf32>
    %mul3A_882 = arith.constant -1.09254849 : f32
    %mul3A_883 = vector.broadcast %mul3A_882 : f32 to vector<1x4096xf32>
    %mul3A_884 = arith.mulf %mul3A_883, %mul3A_585 : vector<1x4096xf32>
    %get3A_885 = arith.constant 21 : index
    %get3A_886 = arith.constant 0 : index
    %get3A_887 = vector.load %arg2[%get3A_885, %get3A_886] : memref<48x4096xf32, #tpu.memory_space<vmem>>, vector<1x4096xf32>
    %mul3A_888 = arith.mulf %mul3A_884, %get3A_887 : vector<1x4096xf32>
    %add3A_889 = arith.addf %add3A_881, %mul3A_888 : vector<1x4096xf32>
    %mul3A_890 = arith.constant 2.000000e+00 : f32
    %mul3A_891 = vector.broadcast %mul3A_890 : f32 to vector<1x4096xf32>
    %mul3A_892 = arith.mulf %mul3A_891, %mul3A_583 : vector<1x4096xf32>
    %sub3A_893 = arith.subf %mul3A_892, %mul3A_581 : vector<1x4096xf32>
    %sub3A_894 = arith.subf %sub3A_893, %mul3A_582 : vector<1x4096xf32>
    %mul3A_895 = arith.constant 0.31539157 : f32
    %mul3A_896 = vector.broadcast %mul3A_895 : f32 to vector<1x4096xf32>
    %mul3A_897 = arith.mulf %mul3A_896, %sub3A_894 : vector<1x4096xf32>
    %get3A_898 = arith.constant 22 : index
    %get3A_899 = arith.constant 0 : index
    %get3A_900 = vector.load %arg2[%get3A_898, %get3A_899] : memref<48x4096xf32, #tpu.memory_space<vmem>>, vector<1x4096xf32>
    %mul3A_901 = arith.mulf %mul3A_897, %get3A_900 : vector<1x4096xf32>
    %add3A_902 = arith.addf %add3A_889, %mul3A_901 : vector<1x4096xf32>
    %mul3A_903 = arith.constant -1.09254849 : f32
    %mul3A_904 = vector.broadcast %mul3A_903 : f32 to vector<1x4096xf32>
    %mul3A_905 = arith.mulf %mul3A_904, %mul3A_586 : vector<1x4096xf32>
    %get3A_906 = arith.constant 23 : index
    %get3A_907 = arith.constant 0 : index
    %get3A_908 = vector.load %arg2[%get3A_906, %get3A_907] : memref<48x4096xf32, #tpu.memory_space<vmem>>, vector<1x4096xf32>
    %mul3A_909 = arith.mulf %mul3A_905, %get3A_908 : vector<1x4096xf32>
    %add3A_910 = arith.addf %add3A_902, %mul3A_909 : vector<1x4096xf32>
    %sub3A_911 = arith.subf %mul3A_581, %mul3A_582 : vector<1x4096xf32>
    %mul3A_912 = arith.constant 0.546274245 : f32
    %mul3A_913 = vector.broadcast %mul3A_912 : f32 to vector<1x4096xf32>
    %mul3A_914 = arith.mulf %mul3A_913, %sub3A_911 : vector<1x4096xf32>
    %get3A_915 = arith.constant 24 : index
    %get3A_916 = arith.constant 0 : index
    %get3A_917 = vector.load %arg2[%get3A_915, %get3A_916] : memref<48x4096xf32, #tpu.memory_space<vmem>>, vector<1x4096xf32>
    %mul3A_918 = arith.mulf %mul3A_914, %get3A_917 : vector<1x4096xf32>
    %add3A_919 = arith.addf %add3A_910, %mul3A_918 : vector<1x4096xf32>
    %mul3A_920 = arith.constant -0.590043604 : f32
    %mul3A_921 = vector.broadcast %mul3A_920 : f32 to vector<1x4096xf32>
    %mul3A_922 = arith.mulf %mul3A_921, %div3A_579 : vector<1x4096xf32>
    %mul3A_923 = arith.constant 3.000000e+00 : f32
    %mul3A_924 = vector.broadcast %mul3A_923 : f32 to vector<1x4096xf32>
    %mul3A_925 = arith.mulf %mul3A_924, %mul3A_581 : vector<1x4096xf32>
    %sub3A_926 = arith.subf %mul3A_925, %mul3A_582 : vector<1x4096xf32>
    %mul3A_927 = arith.mulf %mul3A_922, %sub3A_926 : vector<1x4096xf32>
    %get3A_928 = arith.constant 25 : index
    %get3A_929 = arith.constant 0 : index
    %get3A_930 = vector.load %arg2[%get3A_928, %get3A_929] : memref<48x4096xf32, #tpu.memory_space<vmem>>, vector<1x4096xf32>
    %mul3A_931 = arith.mulf %mul3A_927, %get3A_930 : vector<1x4096xf32>
    %add3A_932 = arith.addf %add3A_919, %mul3A_931 : vector<1x4096xf32>
    %mul3A_933 = arith.constant 2.89061141 : f32
    %mul3A_934 = vector.broadcast %mul3A_933 : f32 to vector<1x4096xf32>
    %mul3A_935 = arith.mulf %mul3A_934, %mul3A_584 : vector<1x4096xf32>
    %mul3A_936 = arith.mulf %mul3A_935, %div3A_580 : vector<1x4096xf32>
    %get3A_937 = arith.constant 26 : index
    %get3A_938 = arith.constant 0 : index
    %get3A_939 = vector.load %arg2[%get3A_937, %get3A_938] : memref<48x4096xf32, #tpu.memory_space<vmem>>, vector<1x4096xf32>
    %mul3A_940 = arith.mulf %mul3A_936, %get3A_939 : vector<1x4096xf32>
    %add3A_941 = arith.addf %add3A_932, %mul3A_940 : vector<1x4096xf32>
    %mul3A_942 = arith.constant -0.457045794 : f32
    %mul3A_943 = vector.broadcast %mul3A_942 : f32 to vector<1x4096xf32>
    %mul3A_944 = arith.mulf %mul3A_943, %div3A_579 : vector<1x4096xf32>
    %mul3A_945 = arith.constant 4.000000e+00 : f32
    %mul3A_946 = vector.broadcast %mul3A_945 : f32 to vector<1x4096xf32>
    %mul3A_947 = arith.mulf %mul3A_946, %mul3A_583 : vector<1x4096xf32>
    %sub3A_948 = arith.subf %mul3A_947, %mul3A_581 : vector<1x4096xf32>
    %sub3A_949 = arith.subf %sub3A_948, %mul3A_582 : vector<1x4096xf32>
    %mul3A_950 = arith.mulf %mul3A_944, %sub3A_949 : vector<1x4096xf32>
    %get3A_951 = arith.constant 27 : index
    %get3A_952 = arith.constant 0 : index
    %get3A_953 = vector.load %arg2[%get3A_951, %get3A_952] : memref<48x4096xf32, #tpu.memory_space<vmem>>, vector<1x4096xf32>
    %mul3A_954 = arith.mulf %mul3A_950, %get3A_953 : vector<1x4096xf32>
    %add3A_955 = arith.addf %add3A_941, %mul3A_954 : vector<1x4096xf32>
    %mul3A_956 = arith.constant 0.373176336 : f32
    %mul3A_957 = vector.broadcast %mul3A_956 : f32 to vector<1x4096xf32>
    %mul3A_958 = arith.mulf %mul3A_957, %div3A_580 : vector<1x4096xf32>
    %mul3A_959 = arith.constant 2.000000e+00 : f32
    %mul3A_960 = vector.broadcast %mul3A_959 : f32 to vector<1x4096xf32>
    %mul3A_961 = arith.mulf %mul3A_960, %mul3A_583 : vector<1x4096xf32>
    %mul3A_962 = arith.constant 3.000000e+00 : f32
    %mul3A_963 = vector.broadcast %mul3A_962 : f32 to vector<1x4096xf32>
    %mul3A_964 = arith.mulf %mul3A_963, %mul3A_581 : vector<1x4096xf32>
    %sub3A_965 = arith.subf %mul3A_961, %mul3A_964 : vector<1x4096xf32>
    %mul3A_966 = arith.constant 3.000000e+00 : f32
    %mul3A_967 = vector.broadcast %mul3A_966 : f32 to vector<1x4096xf32>
    %mul3A_968 = arith.mulf %mul3A_967, %mul3A_582 : vector<1x4096xf32>
    %sub3A_969 = arith.subf %sub3A_965, %mul3A_968 : vector<1x4096xf32>
    %mul3A_970 = arith.mulf %mul3A_958, %sub3A_969 : vector<1x4096xf32>
    %get3A_971 = arith.constant 28 : index
    %get3A_972 = arith.constant 0 : index
    %get3A_973 = vector.load %arg2[%get3A_971, %get3A_972] : memref<48x4096xf32, #tpu.memory_space<vmem>>, vector<1x4096xf32>
    %mul3A_974 = arith.mulf %mul3A_970, %get3A_973 : vector<1x4096xf32>
    %add3A_975 = arith.addf %add3A_955, %mul3A_974 : vector<1x4096xf32>
    %mul3A_976 = arith.constant -0.457045794 : f32
    %mul3A_977 = vector.broadcast %mul3A_976 : f32 to vector<1x4096xf32>
    %mul3A_978 = arith.mulf %mul3A_977, %div3A_578 : vector<1x4096xf32>
    %mul3A_979 = arith.constant 4.000000e+00 : f32
    %mul3A_980 = vector.broadcast %mul3A_979 : f32 to vector<1x4096xf32>
    %mul3A_981 = arith.mulf %mul3A_980, %mul3A_583 : vector<1x4096xf32>
    %sub3A_982 = arith.subf %mul3A_981, %mul3A_581 : vector<1x4096xf32>
    %sub3A_983 = arith.subf %sub3A_982, %mul3A_582 : vector<1x4096xf32>
    %mul3A_984 = arith.mulf %mul3A_978, %sub3A_983 : vector<1x4096xf32>
    %get3A_985 = arith.constant 29 : index
    %get3A_986 = arith.constant 0 : index
    %get3A_987 = vector.load %arg2[%get3A_985, %get3A_986] : memref<48x4096xf32, #tpu.memory_space<vmem>>, vector<1x4096xf32>
    %mul3A_988 = arith.mulf %mul3A_984, %get3A_987 : vector<1x4096xf32>
    %add3A_989 = arith.addf %add3A_975, %mul3A_988 : vector<1x4096xf32>
    %mul3A_990 = arith.constant 1.44530571 : f32
    %mul3A_991 = vector.broadcast %mul3A_990 : f32 to vector<1x4096xf32>
    %mul3A_992 = arith.mulf %mul3A_991, %div3A_580 : vector<1x4096xf32>
    %sub3A_993 = arith.subf %mul3A_581, %mul3A_582 : vector<1x4096xf32>
    %mul3A_994 = arith.mulf %mul3A_992, %sub3A_993 : vector<1x4096xf32>
    %get3A_995 = arith.constant 30 : index
    %get3A_996 = arith.constant 0 : index
    %get3A_997 = vector.load %arg2[%get3A_995, %get3A_996] : memref<48x4096xf32, #tpu.memory_space<vmem>>, vector<1x4096xf32>
    %mul3A_998 = arith.mulf %mul3A_994, %get3A_997 : vector<1x4096xf32>
    %add3A_999 = arith.addf %add3A_989, %mul3A_998 : vector<1x4096xf32>
    %mul3A_1000 = arith.constant -0.590043604 : f32
    %mul3A_1001 = vector.broadcast %mul3A_1000 : f32 to vector<1x4096xf32>
    %mul3A_1002 = arith.mulf %mul3A_1001, %div3A_578 : vector<1x4096xf32>
    %mul3A_1003 = arith.constant 3.000000e+00 : f32
    %mul3A_1004 = vector.broadcast %mul3A_1003 : f32 to vector<1x4096xf32>
    %mul3A_1005 = arith.mulf %mul3A_1004, %mul3A_582 : vector<1x4096xf32>
    %sub3A_1006 = arith.subf %mul3A_581, %mul3A_1005 : vector<1x4096xf32>
    %mul3A_1007 = arith.mulf %mul3A_1002, %sub3A_1006 : vector<1x4096xf32>
    %get3A_1008 = arith.constant 31 : index
    %get3A_1009 = arith.constant 0 : index
    %get3A_1010 = vector.load %arg2[%get3A_1008, %get3A_1009] : memref<48x4096xf32, #tpu.memory_space<vmem>>, vector<1x4096xf32>
    %mul3A_1011 = arith.mulf %mul3A_1007, %get3A_1010 : vector<1x4096xf32>
    %add3A_1012 = arith.addf %add3A_999, %mul3A_1011 : vector<1x4096xf32>
    %add3A_1013 = arith.constant 5.000000e-01 : f32
    %add3A_1014 = vector.broadcast %add3A_1013 : f32 to vector<1x4096xf32>
    %add3A_1015 = arith.addf %add3A_1012, %add3A_1014 : vector<1x4096xf32>
    %max3A_1016 = arith.constant 0.000000e+00 : f32
    %max3A_1017 = vector.broadcast %max3A_1016 : f32 to vector<1x4096xf32>
    %max3A_1018 = arith.maximumf %add3A_1015, %max3A_1017 : vector<1x4096xf32>
    %swap3A_1019 = arith.constant 8 : index
    %swap3A_1020 = arith.constant 0 : index
    %swap3A_1021 = vector.load %arg8[%swap3A_1019, %swap3A_1020] : memref<16x4096xf32, #tpu.memory_space<vmem>>, vector<1x4096xf32>
    tpu.vector_store %arg8[%swap3A_1019, %swap3A_1020], %max3A_1018 {strides = array<i32>} : memref<16x4096xf32, #tpu.memory_space<vmem>>, vector<1x4096xf32>,
    %get3A_1022 = arith.constant 32 : index
    %get3A_1023 = arith.constant 0 : index
    %get3A_1024 = vector.load %arg2[%get3A_1022, %get3A_1023] : memref<48x4096xf32, #tpu.memory_space<vmem>>, vector<1x4096xf32>
    %mul3A_1025 = arith.constant 0.282094806 : f32
    %mul3A_1026 = vector.broadcast %mul3A_1025 : f32 to vector<1x4096xf32>
    %mul3A_1027 = arith.mulf %mul3A_1026, %get3A_1024 : vector<1x4096xf32>
    %mul3A_1028 = arith.constant 0.488602519 : f32
    %mul3A_1029 = vector.broadcast %mul3A_1028 : f32 to vector<1x4096xf32>
    %mul3A_1030 = arith.mulf %mul3A_1029, %div3A_579 : vector<1x4096xf32>
    %get3A_1031 = arith.constant 33 : index
    %get3A_1032 = arith.constant 0 : index
    %get3A_1033 = vector.load %arg2[%get3A_1031, %get3A_1032] : memref<48x4096xf32, #tpu.memory_space<vmem>>, vector<1x4096xf32>
    %mul3A_1034 = arith.mulf %mul3A_1030, %get3A_1033 : vector<1x4096xf32>
    %sub3A_1035 = arith.subf %mul3A_1027, %mul3A_1034 : vector<1x4096xf32>
    %mul3A_1036 = arith.constant 0.488602519 : f32
    %mul3A_1037 = vector.broadcast %mul3A_1036 : f32 to vector<1x4096xf32>
    %mul3A_1038 = arith.mulf %mul3A_1037, %div3A_580 : vector<1x4096xf32>
    %get3A_1039 = arith.constant 34 : index
    %get3A_1040 = arith.constant 0 : index
    %get3A_1041 = vector.load %arg2[%get3A_1039, %get3A_1040] : memref<48x4096xf32, #tpu.memory_space<vmem>>, vector<1x4096xf32>
    %mul3A_1042 = arith.mulf %mul3A_1038, %get3A_1041 : vector<1x4096xf32>
    %add3A_1043 = arith.addf %sub3A_1035, %mul3A_1042 : vector<1x4096xf32>
    %mul3A_1044 = arith.constant 0.488602519 : f32
    %mul3A_1045 = vector.broadcast %mul3A_1044 : f32 to vector<1x4096xf32>
    %mul3A_1046 = arith.mulf %mul3A_1045, %div3A_578 : vector<1x4096xf32>
    %get3A_1047 = arith.constant 35 : index
    %get3A_1048 = arith.constant 0 : index
    %get3A_1049 = vector.load %arg2[%get3A_1047, %get3A_1048] : memref<48x4096xf32, #tpu.memory_space<vmem>>, vector<1x4096xf32>
    %mul3A_1050 = arith.mulf %mul3A_1046, %get3A_1049 : vector<1x4096xf32>
    %sub3A_1051 = arith.subf %add3A_1043, %mul3A_1050 : vector<1x4096xf32>
    %mul3A_1052 = arith.constant 1.09254849 : f32
    %mul3A_1053 = vector.broadcast %mul3A_1052 : f32 to vector<1x4096xf32>
    %mul3A_1054 = arith.mulf %mul3A_1053, %mul3A_584 : vector<1x4096xf32>
    %get3A_1055 = arith.constant 36 : index
    %get3A_1056 = arith.constant 0 : index
    %get3A_1057 = vector.load %arg2[%get3A_1055, %get3A_1056] : memref<48x4096xf32, #tpu.memory_space<vmem>>, vector<1x4096xf32>
    %mul3A_1058 = arith.mulf %mul3A_1054, %get3A_1057 : vector<1x4096xf32>
    %add3A_1059 = arith.addf %sub3A_1051, %mul3A_1058 : vector<1x4096xf32>
    %mul3A_1060 = arith.constant -1.09254849 : f32
    %mul3A_1061 = vector.broadcast %mul3A_1060 : f32 to vector<1x4096xf32>
    %mul3A_1062 = arith.mulf %mul3A_1061, %mul3A_585 : vector<1x4096xf32>
    %get3A_1063 = arith.constant 37 : index
    %get3A_1064 = arith.constant 0 : index
    %get3A_1065 = vector.load %arg2[%get3A_1063, %get3A_1064] : memref<48x4096xf32, #tpu.memory_space<vmem>>, vector<1x4096xf32>
    %mul3A_1066 = arith.mulf %mul3A_1062, %get3A_1065 : vector<1x4096xf32>
    %add3A_1067 = arith.addf %add3A_1059, %mul3A_1066 : vector<1x4096xf32>
    %mul3A_1068 = arith.constant 2.000000e+00 : f32
    %mul3A_1069 = vector.broadcast %mul3A_1068 : f32 to vector<1x4096xf32>
    %mul3A_1070 = arith.mulf %mul3A_1069, %mul3A_583 : vector<1x4096xf32>
    %sub3A_1071 = arith.subf %mul3A_1070, %mul3A_581 : vector<1x4096xf32>
    %sub3A_1072 = arith.subf %sub3A_1071, %mul3A_582 : vector<1x4096xf32>
    %mul3A_1073 = arith.constant 0.31539157 : f32
    %mul3A_1074 = vector.broadcast %mul3A_1073 : f32 to vector<1x4096xf32>
    %mul3A_1075 = arith.mulf %mul3A_1074, %sub3A_1072 : vector<1x4096xf32>
    %get3A_1076 = arith.constant 38 : index
    %get3A_1077 = arith.constant 0 : index
    %get3A_1078 = vector.load %arg2[%get3A_1076, %get3A_1077] : memref<48x4096xf32, #tpu.memory_space<vmem>>, vector<1x4096xf32>
    %mul3A_1079 = arith.mulf %mul3A_1075, %get3A_1078 : vector<1x4096xf32>
    %add3A_1080 = arith.addf %add3A_1067, %mul3A_1079 : vector<1x4096xf32>
    %mul3A_1081 = arith.constant -1.09254849 : f32
    %mul3A_1082 = vector.broadcast %mul3A_1081 : f32 to vector<1x4096xf32>
    %mul3A_1083 = arith.mulf %mul3A_1082, %mul3A_586 : vector<1x4096xf32>
    %get3A_1084 = arith.constant 39 : index
    %get3A_1085 = arith.constant 0 : index
    %get3A_1086 = vector.load %arg2[%get3A_1084, %get3A_1085] : memref<48x4096xf32, #tpu.memory_space<vmem>>, vector<1x4096xf32>
    %mul3A_1087 = arith.mulf %mul3A_1083, %get3A_1086 : vector<1x4096xf32>
    %add3A_1088 = arith.addf %add3A_1080, %mul3A_1087 : vector<1x4096xf32>
    %sub3A_1089 = arith.subf %mul3A_581, %mul3A_582 : vector<1x4096xf32>
    %mul3A_1090 = arith.constant 0.546274245 : f32
    %mul3A_1091 = vector.broadcast %mul3A_1090 : f32 to vector<1x4096xf32>
    %mul3A_1092 = arith.mulf %mul3A_1091, %sub3A_1089 : vector<1x4096xf32>
    %get3A_1093 = arith.constant 40 : index
    %get3A_1094 = arith.constant 0 : index
    %get3A_1095 = vector.load %arg2[%get3A_1093, %get3A_1094] : memref<48x4096xf32, #tpu.memory_space<vmem>>, vector<1x4096xf32>
    %mul3A_1096 = arith.mulf %mul3A_1092, %get3A_1095 : vector<1x4096xf32>
    %add3A_1097 = arith.addf %add3A_1088, %mul3A_1096 : vector<1x4096xf32>
    %mul3A_1098 = arith.constant -0.590043604 : f32
    %mul3A_1099 = vector.broadcast %mul3A_1098 : f32 to vector<1x4096xf32>
    %mul3A_1100 = arith.mulf %mul3A_1099, %div3A_579 : vector<1x4096xf32>
    %mul3A_1101 = arith.constant 3.000000e+00 : f32
    %mul3A_1102 = vector.broadcast %mul3A_1101 : f32 to vector<1x4096xf32>
    %mul3A_1103 = arith.mulf %mul3A_1102, %mul3A_581 : vector<1x4096xf32>
    %sub3A_1104 = arith.subf %mul3A_1103, %mul3A_582 : vector<1x4096xf32>
    %mul3A_1105 = arith.mulf %mul3A_1100, %sub3A_1104 : vector<1x4096xf32>
    %get3A_1106 = arith.constant 41 : index
    %get3A_1107 = arith.constant 0 : index
    %get3A_1108 = vector.load %arg2[%get3A_1106, %get3A_1107] : memref<48x4096xf32, #tpu.memory_space<vmem>>, vector<1x4096xf32>
    %mul3A_1109 = arith.mulf %mul3A_1105, %get3A_1108 : vector<1x4096xf32>
    %add3A_1110 = arith.addf %add3A_1097, %mul3A_1109 : vector<1x4096xf32>
    %mul3A_1111 = arith.constant 2.89061141 : f32
    %mul3A_1112 = vector.broadcast %mul3A_1111 : f32 to vector<1x4096xf32>
    %mul3A_1113 = arith.mulf %mul3A_1112, %mul3A_584 : vector<1x4096xf32>
    %mul3A_1114 = arith.mulf %mul3A_1113, %div3A_580 : vector<1x4096xf32>
    %get3A_1115 = arith.constant 42 : index
    %get3A_1116 = arith.constant 0 : index
    %get3A_1117 = vector.load %arg2[%get3A_1115, %get3A_1116] : memref<48x4096xf32, #tpu.memory_space<vmem>>, vector<1x4096xf32>
    %mul3A_1118 = arith.mulf %mul3A_1114, %get3A_1117 : vector<1x4096xf32>
    %add3A_1119 = arith.addf %add3A_1110, %mul3A_1118 : vector<1x4096xf32>
    %mul3A_1120 = arith.constant -0.457045794 : f32
    %mul3A_1121 = vector.broadcast %mul3A_1120 : f32 to vector<1x4096xf32>
    %mul3A_1122 = arith.mulf %mul3A_1121, %div3A_579 : vector<1x4096xf32>
    %mul3A_1123 = arith.constant 4.000000e+00 : f32
    %mul3A_1124 = vector.broadcast %mul3A_1123 : f32 to vector<1x4096xf32>
    %mul3A_1125 = arith.mulf %mul3A_1124, %mul3A_583 : vector<1x4096xf32>
    %sub3A_1126 = arith.subf %mul3A_1125, %mul3A_581 : vector<1x4096xf32>
    %sub3A_1127 = arith.subf %sub3A_1126, %mul3A_582 : vector<1x4096xf32>
    %mul3A_1128 = arith.mulf %mul3A_1122, %sub3A_1127 : vector<1x4096xf32>
    %get3A_1129 = arith.constant 43 : index
    %get3A_1130 = arith.constant 0 : index
    %get3A_1131 = vector.load %arg2[%get3A_1129, %get3A_1130] : memref<48x4096xf32, #tpu.memory_space<vmem>>, vector<1x4096xf32>
    %mul3A_1132 = arith.mulf %mul3A_1128, %get3A_1131 : vector<1x4096xf32>
    %add3A_1133 = arith.addf %add3A_1119, %mul3A_1132 : vector<1x4096xf32>
    %mul3A_1134 = arith.constant 0.373176336 : f32
    %mul3A_1135 = vector.broadcast %mul3A_1134 : f32 to vector<1x4096xf32>
    %mul3A_1136 = arith.mulf %mul3A_1135, %div3A_580 : vector<1x4096xf32>
    %mul3A_1137 = arith.constant 2.000000e+00 : f32
    %mul3A_1138 = vector.broadcast %mul3A_1137 : f32 to vector<1x4096xf32>
    %mul3A_1139 = arith.mulf %mul3A_1138, %mul3A_583 : vector<1x4096xf32>
    %mul3A_1140 = arith.constant 3.000000e+00 : f32
    %mul3A_1141 = vector.broadcast %mul3A_1140 : f32 to vector<1x4096xf32>
    %mul3A_1142 = arith.mulf %mul3A_1141, %mul3A_581 : vector<1x4096xf32>
    %sub3A_1143 = arith.subf %mul3A_1139, %mul3A_1142 : vector<1x4096xf32>
    %mul3A_1144 = arith.constant 3.000000e+00 : f32
    %mul3A_1145 = vector.broadcast %mul3A_1144 : f32 to vector<1x4096xf32>
    %mul3A_1146 = arith.mulf %mul3A_1145, %mul3A_582 : vector<1x4096xf32>
    %sub3A_1147 = arith.subf %sub3A_1143, %mul3A_1146 : vector<1x4096xf32>
    %mul3A_1148 = arith.mulf %mul3A_1136, %sub3A_1147 : vector<1x4096xf32>
    %get3A_1149 = arith.constant 44 : index
    %get3A_1150 = arith.constant 0 : index
    %get3A_1151 = vector.load %arg2[%get3A_1149, %get3A_1150] : memref<48x4096xf32, #tpu.memory_space<vmem>>, vector<1x4096xf32>
    %mul3A_1152 = arith.mulf %mul3A_1148, %get3A_1151 : vector<1x4096xf32>
    %add3A_1153 = arith.addf %add3A_1133, %mul3A_1152 : vector<1x4096xf32>
    %mul3A_1154 = arith.constant -0.457045794 : f32
    %mul3A_1155 = vector.broadcast %mul3A_1154 : f32 to vector<1x4096xf32>
    %mul3A_1156 = arith.mulf %mul3A_1155, %div3A_578 : vector<1x4096xf32>
    %mul3A_1157 = arith.constant 4.000000e+00 : f32
    %mul3A_1158 = vector.broadcast %mul3A_1157 : f32 to vector<1x4096xf32>
    %mul3A_1159 = arith.mulf %mul3A_1158, %mul3A_583 : vector<1x4096xf32>
    %sub3A_1160 = arith.subf %mul3A_1159, %mul3A_581 : vector<1x4096xf32>
    %sub3A_1161 = arith.subf %sub3A_1160, %mul3A_582 : vector<1x4096xf32>
    %mul3A_1162 = arith.mulf %mul3A_1156, %sub3A_1161 : vector<1x4096xf32>
    %get3A_1163 = arith.constant 45 : index
    %get3A_1164 = arith.constant 0 : index
    %get3A_1165 = vector.load %arg2[%get3A_1163, %get3A_1164] : memref<48x4096xf32, #tpu.memory_space<vmem>>, vector<1x4096xf32>
    %mul3A_1166 = arith.mulf %mul3A_1162, %get3A_1165 : vector<1x4096xf32>
    %add3A_1167 = arith.addf %add3A_1153, %mul3A_1166 : vector<1x4096xf32>
    %mul3A_1168 = arith.constant 1.44530571 : f32
    %mul3A_1169 = vector.broadcast %mul3A_1168 : f32 to vector<1x4096xf32>
    %mul3A_1170 = arith.mulf %mul3A_1169, %div3A_580 : vector<1x4096xf32>
    %sub3A_1171 = arith.subf %mul3A_581, %mul3A_582 : vector<1x4096xf32>
    %mul3A_1172 = arith.mulf %mul3A_1170, %sub3A_1171 : vector<1x4096xf32>
    %get3A_1173 = arith.constant 46 : index
    %get3A_1174 = arith.constant 0 : index
    %get3A_1175 = vector.load %arg2[%get3A_1173, %get3A_1174] : memref<48x4096xf32, #tpu.memory_space<vmem>>, vector<1x4096xf32>
    %mul3A_1176 = arith.mulf %mul3A_1172, %get3A_1175 : vector<1x4096xf32>
    %add3A_1177 = arith.addf %add3A_1167, %mul3A_1176 : vector<1x4096xf32>
    %mul3A_1178 = arith.constant -0.590043604 : f32
    %mul3A_1179 = vector.broadcast %mul3A_1178 : f32 to vector<1x4096xf32>
    %mul3A_1180 = arith.mulf %mul3A_1179, %div3A_578 : vector<1x4096xf32>
    %mul3A_1181 = arith.constant 3.000000e+00 : f32
    %mul3A_1182 = vector.broadcast %mul3A_1181 : f32 to vector<1x4096xf32>
    %mul3A_1183 = arith.mulf %mul3A_1182, %mul3A_582 : vector<1x4096xf32>
    %sub3A_1184 = arith.subf %mul3A_581, %mul3A_1183 : vector<1x4096xf32>
    %mul3A_1185 = arith.mulf %mul3A_1180, %sub3A_1184 : vector<1x4096xf32>
    %get3A_1186 = arith.constant 47 : index
    %get3A_1187 = arith.constant 0 : index
    %get3A_1188 = vector.load %arg2[%get3A_1186, %get3A_1187] : memref<48x4096xf32, #tpu.memory_space<vmem>>, vector<1x4096xf32>
    %mul3A_1189 = arith.mulf %mul3A_1185, %get3A_1188 : vector<1x4096xf32>
    %add3A_1190 = arith.addf %add3A_1177, %mul3A_1189 : vector<1x4096xf32>
    %add3A_1191 = arith.constant 5.000000e-01 : f32
    %add3A_1192 = vector.broadcast %add3A_1191 : f32 to vector<1x4096xf32>
    %add3A_1193 = arith.addf %add3A_1190, %add3A_1192 : vector<1x4096xf32>
    %max3A_1194 = arith.constant 0.000000e+00 : f32
    %max3A_1195 = vector.broadcast %max3A_1194 : f32 to vector<1x4096xf32>
    %max3A_1196 = arith.maximumf %add3A_1193, %max3A_1195 : vector<1x4096xf32>
    %swap3A_1197 = arith.constant 9 : index
    %swap3A_1198 = arith.constant 0 : index
    %swap3A_1199 = vector.load %arg8[%swap3A_1197, %swap3A_1198] : memref<16x4096xf32, #tpu.memory_space<vmem>>, vector<1x4096xf32>
    tpu.vector_store %arg8[%swap3A_1197, %swap3A_1198], %max3A_1196 {strides = array<i32>} : memref<16x4096xf32, #tpu.memory_space<vmem>>, vector<1x4096xf32>,
    %swap3A_1200 = arith.constant 6 : index
    %swap3A_1201 = arith.constant 0 : index
    %swap3A_1202 = vector.load %arg8[%swap3A_1200, %swap3A_1201] : memref<16x4096xf32, #tpu.memory_space<vmem>>, vector<1x4096xf32>
    tpu.vector_store %arg8[%swap3A_1200, %swap3A_1201], %select_n3A_592 {strides = array<i32>} : memref<16x4096xf32, #tpu.memory_space<vmem>>, vector<1x4096xf32>,
    %swap3A_1203 = arith.constant 10 : index
    %swap3A_1204 = arith.constant 0 : index
    %swap3A_1205 = vector.load %arg8[%swap3A_1203, %swap3A_1204] : memref<16x4096xf32, #tpu.memory_space<vmem>>, vector<1x4096xf32>
    tpu.vector_store %arg8[%swap3A_1203, %swap3A_1204], %add3A_81 {strides = array<i32>} : memref<16x4096xf32, #tpu.memory_space<vmem>>, vector<1x4096xf32>,
    %swap3A_1206 = arith.constant 11 : index
    %swap3A_1207 = arith.constant 0 : index
    %swap3A_1208 = vector.load %arg8[%swap3A_1206, %swap3A_1207] : memref<16x4096xf32, #tpu.memory_space<vmem>>, vector<1x4096xf32>
    tpu.vector_store %arg8[%swap3A_1206, %swap3A_1207], %div3A_602 {strides = array<i32>} : memref<16x4096xf32, #tpu.memory_space<vmem>>, vector<1x4096xf32>,
    %broadcast_in_dim3A_1209 = arith.constant 0.000000e+00 : f32
    %broadcast_in_dim3A_1210 = vector.broadcast %broadcast_in_dim3A_1209 : f32 to vector<4x4096xf32>
    %swap3A_1211 = arith.constant 12 : index
    %swap3A_1212 = arith.constant 0 : index
    %swap3A_1213 = vector.load %arg8[%swap3A_1211, %swap3A_1212] : memref<16x4096xf32, #tpu.memory_space<vmem>>, vector<4x4096xf32>
    tpu.vector_store %arg8[%swap3A_1211, %swap3A_1212], %broadcast_in_dim3A_1210 {strides = array<i32>} : memref<16x4096xf32, #tpu.memory_space<vmem>>, vector<4x4096xf32>,
    %get3A_1214 = arith.constant 0 : index
    %get3A_1215 = arith.constant 0 : index
    %get3A_1216 = vector.load %arg8[%get3A_1214, %get3A_1215] : memref<16x4096xf32, #tpu.memory_space<vmem>>, vector<16x4096xf32>
    %transpose3A = tpu.transpose %get3A_1216, [1, 0] : vector<16x4096xf32> -> vector<4096x16xf32>
    %swap3A_1217 = arith.constant 0 : index
    %swap3A_1218 = arith.constant 0 : index
    %swap3A_1219 = vector.load %arg9[%swap3A_1217, %swap3A_1218] : memref<4096x128xf32, #tpu.memory_space<vmem>>, vector<4096x16xf32>
    tpu.vector_store %arg9[%swap3A_1217, %swap3A_1218], %transpose3A {strides = array<i32>} : memref<4096x128xf32, #tpu.memory_space<vmem>>, vector<4096x16xf32>,
    %broadcast_in_dim3A_1220 = arith.constant 0.000000e+00 : f32
    %broadcast_in_dim3A_1221 = vector.broadcast %broadcast_in_dim3A_1220 : f32 to vector<4096x112xf32>
    %swap3A_1222 = arith.constant 0 : index
    %swap3A_1223 = arith.constant 16 : index
    %swap3A_1224 = vector.load %arg9[%swap3A_1222, %swap3A_1223] : memref<4096x128xf32, #tpu.memory_space<vmem>>, vector<4096x112xf32>
    tpu.vector_store %arg9[%swap3A_1222, %swap3A_1223], %broadcast_in_dim3A_1221 {strides = array<i32>} : memref<4096x128xf32, #tpu.memory_space<vmem>>, vector<4096x112xf32>,
    %transpose3A_1225 = tpu.transpose %add3A_81, [1, 0] : vector<1x4096xf32> -> vector<4096x1xf32>
    %iota3A = tpu.iota {dimensions = array<i32: 1>} : vector<512x512xi32>
    %iota3A_1226 = tpu.iota {dimensions = array<i32: 0>} : vector<512x512xi32>
    %lt3A = arith.cmpi slt, %iota3A, %iota3A_1226 : vector<512x512xi32>
    %convert_element_type3A_1227 = arith.extui %lt3A : vector<512x512xi1> to vector<512x512xi32>
    %convert_element_type3A_1228 = arith.sitofp %convert_element_type3A_1227 : vector<512x512xi32> to vector<512x512xf32>
    %iota3A_1229 = tpu.iota {dimensions = array<i32: 1>} : vector<1x4096xi32>
    %slice3A_1230 = vector.extract_strided_slice %transpose3A_1225 {offsets = [0, 0], sizes = [512, 1], strides = [1, 1]} : vector<4096x1xf32> to vector<512x1xf32>
    %le3A = vector.broadcast %add3A_81 : vector<1x4096xf32> to vector<512x4096xf32>
    %le3A_1231 = vector.broadcast %slice3A_1230 : vector<512x1xf32> to vector<512x4096xf32>
    %le3A_1232 = arith.cmpf ole, %le3A, %le3A_1231 : vector<512x4096xf32>
    %convert_element_type3A_1233 = arith.extui %le3A_1232 : vector<512x4096xi1> to vector<512x4096xi32>
    %convert_element_type3A_1234 = arith.sitofp %convert_element_type3A_1233 : vector<512x4096xi32> to vector<512x4096xf32>
    %lt3A_1235 = vector.broadcast %add3A_81 : vector<1x4096xf32> to vector<512x4096xf32>
    %lt3A_1236 = vector.broadcast %slice3A_1230 : vector<512x1xf32> to vector<512x4096xf32>
    %lt3A_1237 = arith.cmpf olt, %lt3A_1235, %lt3A_1236 : vector<512x4096xf32>
    %convert_element_type3A_1238 = arith.extui %lt3A_1237 : vector<512x4096xi1> to vector<512x4096xi32>
    %convert_element_type3A_1239 = arith.sitofp %convert_element_type3A_1238 : vector<512x4096xi32> to vector<512x4096xf32>
    %lt3A_1240 = arith.constant 0 : i32
    %lt3A_1241 = vector.broadcast %lt3A_1240 : i32 to vector<1x4096xi32>
    %lt3A_1242 = arith.cmpi slt, %iota3A_1229, %lt3A_1241 : vector<1x4096xi32>
    %broadcast_in_dim3A_1243 = vector.shape_cast %lt3A_1242 : vector<1x4096xi1> to vector<1x4096xi1>
    %broadcast_in_dim3A_1244 = vector.broadcast %broadcast_in_dim3A_1243 : vector<1x4096xi1> to vector<512x4096xi1>
    %select_n3A_1245 = arith.select %broadcast_in_dim3A_1244, %convert_element_type3A_1234, %convert_element_type3A_1239 : vector<512x4096xi1>, vector<512x4096xf32>
    %slice3A_1246 = vector.extract_strided_slice %convert_element_type3A_1234 {offsets = [0, 0], sizes = [512, 512], strides = [1, 1]} : vector<512x4096xf32> to vector<512x512xf32>
    %slice3A_1247 = vector.extract_strided_slice %convert_element_type3A_1239 {offsets = [0, 0], sizes = [512, 512], strides = [1, 1]} : vector<512x4096xf32> to vector<512x512xf32>
    %sub3A_1248 = arith.subf %slice3A_1246, %slice3A_1247 : vector<512x512xf32>
    %reduce_sum3A = arith.constant dense<0.000000e+00> : vector<512xf32>
    %reduce_sum3A_1249 = vector.multi_reduction <add>, %select_n3A_1245, %reduce_sum3A [1] : vector<512x4096xf32> to vector<512xf32>
    %broadcast_in_dim3A_1250 = vector.shape_cast %reduce_sum3A_1249 : vector<512xf32> to vector<512x1xf32>
    %mul3A_1251 = arith.mulf %sub3A_1248, %convert_element_type3A_1228 : vector<512x512xf32>
    %reduce_sum3A_1252 = arith.constant dense<0.000000e+00> : vector<512xf32>
    %reduce_sum3A_1253 = vector.multi_reduction <add>, %mul3A_1251, %reduce_sum3A_1252 [1] : vector<512x512xf32> to vector<512xf32>
    %broadcast_in_dim3A_1254 = vector.shape_cast %reduce_sum3A_1253 : vector<512xf32> to vector<512x1xf32>
    %add3A_1255 = arith.addf %broadcast_in_dim3A_1250, %broadcast_in_dim3A_1254 : vector<512x1xf32>
    %convert_element_type3A_1256 = arith.fptosi %add3A_1255 : vector<512x1xf32> to vector<512x1xi32>
    %swap3A_1257 = arith.constant 0 : index
    %swap3A_1258 = arith.constant 0 : index
    %swap3A_1259 = vector.load %arg11[%swap3A_1257, %swap3A_1258] : memref<4096x1xi32, #tpu.memory_space<vmem>>, vector<512x1xi32>
    tpu.vector_store %arg11[%swap3A_1257, %swap3A_1258], %convert_element_type3A_1256 {strides = array<i32>} : memref<4096x1xi32, #tpu.memory_space<vmem>>, vector<512x1xi32>,
    %slice3A_1260 = vector.extract_strided_slice %transpose3A_1225 {offsets = [512, 0], sizes = [512, 1], strides = [1, 1]} : vector<4096x1xf32> to vector<512x1xf32>
    %le3A_1261 = vector.broadcast %add3A_81 : vector<1x4096xf32> to vector<512x4096xf32>
    %le3A_1262 = vector.broadcast %slice3A_1260 : vector<512x1xf32> to vector<512x4096xf32>
    %le3A_1263 = arith.cmpf ole, %le3A_1261, %le3A_1262 : vector<512x4096xf32>
    %convert_element_type3A_1264 = arith.extui %le3A_1263 : vector<512x4096xi1> to vector<512x4096xi32>
    %convert_element_type3A_1265 = arith.sitofp %convert_element_type3A_1264 : vector<512x4096xi32> to vector<512x4096xf32>
    %lt3A_1266 = vector.broadcast %add3A_81 : vector<1x4096xf32> to vector<512x4096xf32>
    %lt3A_1267 = vector.broadcast %slice3A_1260 : vector<512x1xf32> to vector<512x4096xf32>
    %lt3A_1268 = arith.cmpf olt, %lt3A_1266, %lt3A_1267 : vector<512x4096xf32>
    %convert_element_type3A_1269 = arith.extui %lt3A_1268 : vector<512x4096xi1> to vector<512x4096xi32>
    %convert_element_type3A_1270 = arith.sitofp %convert_element_type3A_1269 : vector<512x4096xi32> to vector<512x4096xf32>
    %lt3A_1271 = arith.constant 512 : i32
    %lt3A_1272 = vector.broadcast %lt3A_1271 : i32 to vector<1x4096xi32>
    %lt3A_1273 = arith.cmpi slt, %iota3A_1229, %lt3A_1272 : vector<1x4096xi32>
    %broadcast_in_dim3A_1274 = vector.shape_cast %lt3A_1273 : vector<1x4096xi1> to vector<1x4096xi1>
    %broadcast_in_dim3A_1275 = vector.broadcast %broadcast_in_dim3A_1274 : vector<1x4096xi1> to vector<512x4096xi1>
    %select_n3A_1276 = arith.select %broadcast_in_dim3A_1275, %convert_element_type3A_1265, %convert_element_type3A_1270 : vector<512x4096xi1>, vector<512x4096xf32>
    %slice3A_1277 = vector.extract_strided_slice %convert_element_type3A_1265 {offsets = [0, 512], sizes = [512, 512], strides = [1, 1]} : vector<512x4096xf32> to vector<512x512xf32>
    %slice3A_1278 = vector.extract_strided_slice %convert_element_type3A_1270 {offsets = [0, 512], sizes = [512, 512], strides = [1, 1]} : vector<512x4096xf32> to vector<512x512xf32>
    %sub3A_1279 = arith.subf %slice3A_1277, %slice3A_1278 : vector<512x512xf32>
    %reduce_sum3A_1280 = arith.constant dense<0.000000e+00> : vector<512xf32>
    %reduce_sum3A_1281 = vector.multi_reduction <add>, %select_n3A_1276, %reduce_sum3A_1280 [1] : vector<512x4096xf32> to vector<512xf32>
    %broadcast_in_dim3A_1282 = vector.shape_cast %reduce_sum3A_1281 : vector<512xf32> to vector<512x1xf32>
    %mul3A_1283 = arith.mulf %sub3A_1279, %convert_element_type3A_1228 : vector<512x512xf32>
    %reduce_sum3A_1284 = arith.constant dense<0.000000e+00> : vector<512xf32>
    %reduce_sum3A_1285 = vector.multi_reduction <add>, %mul3A_1283, %reduce_sum3A_1284 [1] : vector<512x512xf32> to vector<512xf32>
    %broadcast_in_dim3A_1286 = vector.shape_cast %reduce_sum3A_1285 : vector<512xf32> to vector<512x1xf32>
    %add3A_1287 = arith.addf %broadcast_in_dim3A_1282, %broadcast_in_dim3A_1286 : vector<512x1xf32>
    %convert_element_type3A_1288 = arith.fptosi %add3A_1287 : vector<512x1xf32> to vector<512x1xi32>
    %swap3A_1289 = arith.constant 512 : index
    %swap3A_1290 = arith.constant 0 : index
    %swap3A_1291 = vector.load %arg11[%swap3A_1289, %swap3A_1290] : memref<4096x1xi32, #tpu.memory_space<vmem>>, vector<512x1xi32>
    tpu.vector_store %arg11[%swap3A_1289, %swap3A_1290], %convert_element_type3A_1288 {strides = array<i32>} : memref<4096x1xi32, #tpu.memory_space<vmem>>, vector<512x1xi32>,
    %slice3A_1292 = vector.extract_strided_slice %transpose3A_1225 {offsets = [1024, 0], sizes = [512, 1], strides = [1, 1]} : vector<4096x1xf32> to vector<512x1xf32>
    %le3A_1293 = vector.broadcast %add3A_81 : vector<1x4096xf32> to vector<512x4096xf32>
    %le3A_1294 = vector.broadcast %slice3A_1292 : vector<512x1xf32> to vector<512x4096xf32>
    %le3A_1295 = arith.cmpf ole, %le3A_1293, %le3A_1294 : vector<512x4096xf32>
    %convert_element_type3A_1296 = arith.extui %le3A_1295 : vector<512x4096xi1> to vector<512x4096xi32>
    %convert_element_type3A_1297 = arith.sitofp %convert_element_type3A_1296 : vector<512x4096xi32> to vector<512x4096xf32>
    %lt3A_1298 = vector.broadcast %add3A_81 : vector<1x4096xf32> to vector<512x4096xf32>
    %lt3A_1299 = vector.broadcast %slice3A_1292 : vector<512x1xf32> to vector<512x4096xf32>
    %lt3A_1300 = arith.cmpf olt, %lt3A_1298, %lt3A_1299 : vector<512x4096xf32>
    %convert_element_type3A_1301 = arith.extui %lt3A_1300 : vector<512x4096xi1> to vector<512x4096xi32>
    %convert_element_type3A_1302 = arith.sitofp %convert_element_type3A_1301 : vector<512x4096xi32> to vector<512x4096xf32>
    %lt3A_1303 = arith.constant 1024 : i32
    %lt3A_1304 = vector.broadcast %lt3A_1303 : i32 to vector<1x4096xi32>
    %lt3A_1305 = arith.cmpi slt, %iota3A_1229, %lt3A_1304 : vector<1x4096xi32>
    %broadcast_in_dim3A_1306 = vector.shape_cast %lt3A_1305 : vector<1x4096xi1> to vector<1x4096xi1>
    %broadcast_in_dim3A_1307 = vector.broadcast %broadcast_in_dim3A_1306 : vector<1x4096xi1> to vector<512x4096xi1>
    %select_n3A_1308 = arith.select %broadcast_in_dim3A_1307, %convert_element_type3A_1297, %convert_element_type3A_1302 : vector<512x4096xi1>, vector<512x4096xf32>
    %slice3A_1309 = vector.extract_strided_slice %convert_element_type3A_1297 {offsets = [0, 1024], sizes = [512, 512], strides = [1, 1]} : vector<512x4096xf32> to vector<512x512xf32>
    %slice3A_1310 = vector.extract_strided_slice %convert_element_type3A_1302 {offsets = [0, 1024], sizes = [512, 512], strides = [1, 1]} : vector<512x4096xf32> to vector<512x512xf32>
    %sub3A_1311 = arith.subf %slice3A_1309, %slice3A_1310 : vector<512x512xf32>
    %reduce_sum3A_1312 = arith.constant dense<0.000000e+00> : vector<512xf32>
    %reduce_sum3A_1313 = vector.multi_reduction <add>, %select_n3A_1308, %reduce_sum3A_1312 [1] : vector<512x4096xf32> to vector<512xf32>
    %broadcast_in_dim3A_1314 = vector.shape_cast %reduce_sum3A_1313 : vector<512xf32> to vector<512x1xf32>
    %mul3A_1315 = arith.mulf %sub3A_1311, %convert_element_type3A_1228 : vector<512x512xf32>
    %reduce_sum3A_1316 = arith.constant dense<0.000000e+00> : vector<512xf32>
    %reduce_sum3A_1317 = vector.multi_reduction <add>, %mul3A_1315, %reduce_sum3A_1316 [1] : vector<512x512xf32> to vector<512xf32>
    %broadcast_in_dim3A_1318 = vector.shape_cast %reduce_sum3A_1317 : vector<512xf32> to vector<512x1xf32>
    %add3A_1319 = arith.addf %broadcast_in_dim3A_1314, %broadcast_in_dim3A_1318 : vector<512x1xf32>
    %convert_element_type3A_1320 = arith.fptosi %add3A_1319 : vector<512x1xf32> to vector<512x1xi32>
    %swap3A_1321 = arith.constant 1024 : index
    %swap3A_1322 = arith.constant 0 : index
    %swap3A_1323 = vector.load %arg11[%swap3A_1321, %swap3A_1322] : memref<4096x1xi32, #tpu.memory_space<vmem>>, vector<512x1xi32>
    tpu.vector_store %arg11[%swap3A_1321, %swap3A_1322], %convert_element_type3A_1320 {strides = array<i32>} : memref<4096x1xi32, #tpu.memory_space<vmem>>, vector<512x1xi32>,
    %slice3A_1324 = vector.extract_strided_slice %transpose3A_1225 {offsets = [1536, 0], sizes = [512, 1], strides = [1, 1]} : vector<4096x1xf32> to vector<512x1xf32>
    %le3A_1325 = vector.broadcast %add3A_81 : vector<1x4096xf32> to vector<512x4096xf32>
    %le3A_1326 = vector.broadcast %slice3A_1324 : vector<512x1xf32> to vector<512x4096xf32>
    %le3A_1327 = arith.cmpf ole, %le3A_1325, %le3A_1326 : vector<512x4096xf32>
    %convert_element_type3A_1328 = arith.extui %le3A_1327 : vector<512x4096xi1> to vector<512x4096xi32>
    %convert_element_type3A_1329 = arith.sitofp %convert_element_type3A_1328 : vector<512x4096xi32> to vector<512x4096xf32>
    %lt3A_1330 = vector.broadcast %add3A_81 : vector<1x4096xf32> to vector<512x4096xf32>
    %lt3A_1331 = vector.broadcast %slice3A_1324 : vector<512x1xf32> to vector<512x4096xf32>
    %lt3A_1332 = arith.cmpf olt, %lt3A_1330, %lt3A_1331 : vector<512x4096xf32>
    %convert_element_type3A_1333 = arith.extui %lt3A_1332 : vector<512x4096xi1> to vector<512x4096xi32>
    %convert_element_type3A_1334 = arith.sitofp %convert_element_type3A_1333 : vector<512x4096xi32> to vector<512x4096xf32>
    %lt3A_1335 = arith.constant 1536 : i32
    %lt3A_1336 = vector.broadcast %lt3A_1335 : i32 to vector<1x4096xi32>
    %lt3A_1337 = arith.cmpi slt, %iota3A_1229, %lt3A_1336 : vector<1x4096xi32>
    %broadcast_in_dim3A_1338 = vector.shape_cast %lt3A_1337 : vector<1x4096xi1> to vector<1x4096xi1>
    %broadcast_in_dim3A_1339 = vector.broadcast %broadcast_in_dim3A_1338 : vector<1x4096xi1> to vector<512x4096xi1>
    %select_n3A_1340 = arith.select %broadcast_in_dim3A_1339, %convert_element_type3A_1329, %convert_element_type3A_1334 : vector<512x4096xi1>, vector<512x4096xf32>
    %slice3A_1341 = vector.extract_strided_slice %convert_element_type3A_1329 {offsets = [0, 1536], sizes = [512, 512], strides = [1, 1]} : vector<512x4096xf32> to vector<512x512xf32>
    %slice3A_1342 = vector.extract_strided_slice %convert_element_type3A_1334 {offsets = [0, 1536], sizes = [512, 512], strides = [1, 1]} : vector<512x4096xf32> to vector<512x512xf32>
    %sub3A_1343 = arith.subf %slice3A_1341, %slice3A_1342 : vector<512x512xf32>
    %reduce_sum3A_1344 = arith.constant dense<0.000000e+00> : vector<512xf32>
    %reduce_sum3A_1345 = vector.multi_reduction <add>, %select_n3A_1340, %reduce_sum3A_1344 [1] : vector<512x4096xf32> to vector<512xf32>
    %broadcast_in_dim3A_1346 = vector.shape_cast %reduce_sum3A_1345 : vector<512xf32> to vector<512x1xf32>
    %mul3A_1347 = arith.mulf %sub3A_1343, %convert_element_type3A_1228 : vector<512x512xf32>
    %reduce_sum3A_1348 = arith.constant dense<0.000000e+00> : vector<512xf32>
    %reduce_sum3A_1349 = vector.multi_reduction <add>, %mul3A_1347, %reduce_sum3A_1348 [1] : vector<512x512xf32> to vector<512xf32>
    %broadcast_in_dim3A_1350 = vector.shape_cast %reduce_sum3A_1349 : vector<512xf32> to vector<512x1xf32>
    %add3A_1351 = arith.addf %broadcast_in_dim3A_1346, %broadcast_in_dim3A_1350 : vector<512x1xf32>
    %convert_element_type3A_1352 = arith.fptosi %add3A_1351 : vector<512x1xf32> to vector<512x1xi32>
    %swap3A_1353 = arith.constant 1536 : index
    %swap3A_1354 = arith.constant 0 : index
    %swap3A_1355 = vector.load %arg11[%swap3A_1353, %swap3A_1354] : memref<4096x1xi32, #tpu.memory_space<vmem>>, vector<512x1xi32>
    tpu.vector_store %arg11[%swap3A_1353, %swap3A_1354], %convert_element_type3A_1352 {strides = array<i32>} : memref<4096x1xi32, #tpu.memory_space<vmem>>, vector<512x1xi32>,
    %slice3A_1356 = vector.extract_strided_slice %transpose3A_1225 {offsets = [2048, 0], sizes = [512, 1], strides = [1, 1]} : vector<4096x1xf32> to vector<512x1xf32>
    %le3A_1357 = vector.broadcast %add3A_81 : vector<1x4096xf32> to vector<512x4096xf32>
    %le3A_1358 = vector.broadcast %slice3A_1356 : vector<512x1xf32> to vector<512x4096xf32>
    %le3A_1359 = arith.cmpf ole, %le3A_1357, %le3A_1358 : vector<512x4096xf32>
    %convert_element_type3A_1360 = arith.extui %le3A_1359 : vector<512x4096xi1> to vector<512x4096xi32>
    %convert_element_type3A_1361 = arith.sitofp %convert_element_type3A_1360 : vector<512x4096xi32> to vector<512x4096xf32>
    %lt3A_1362 = vector.broadcast %add3A_81 : vector<1x4096xf32> to vector<512x4096xf32>
    %lt3A_1363 = vector.broadcast %slice3A_1356 : vector<512x1xf32> to vector<512x4096xf32>
    %lt3A_1364 = arith.cmpf olt, %lt3A_1362, %lt3A_1363 : vector<512x4096xf32>
    %convert_element_type3A_1365 = arith.extui %lt3A_1364 : vector<512x4096xi1> to vector<512x4096xi32>
    %convert_element_type3A_1366 = arith.sitofp %convert_element_type3A_1365 : vector<512x4096xi32> to vector<512x4096xf32>
    %lt3A_1367 = arith.constant 2048 : i32
    %lt3A_1368 = vector.broadcast %lt3A_1367 : i32 to vector<1x4096xi32>
    %lt3A_1369 = arith.cmpi slt, %iota3A_1229, %lt3A_1368 : vector<1x4096xi32>
    %broadcast_in_dim3A_1370 = vector.shape_cast %lt3A_1369 : vector<1x4096xi1> to vector<1x4096xi1>
    %broadcast_in_dim3A_1371 = vector.broadcast %broadcast_in_dim3A_1370 : vector<1x4096xi1> to vector<512x4096xi1>
    %select_n3A_1372 = arith.select %broadcast_in_dim3A_1371, %convert_element_type3A_1361, %convert_element_type3A_1366 : vector<512x4096xi1>, vector<512x4096xf32>
    %slice3A_1373 = vector.extract_strided_slice %convert_element_type3A_1361 {offsets = [0, 2048], sizes = [512, 512], strides = [1, 1]} : vector<512x4096xf32> to vector<512x512xf32>
    %slice3A_1374 = vector.extract_strided_slice %convert_element_type3A_1366 {offsets = [0, 2048], sizes = [512, 512], strides = [1, 1]} : vector<512x4096xf32> to vector<512x512xf32>
    %sub3A_1375 = arith.subf %slice3A_1373, %slice3A_1374 : vector<512x512xf32>
    %reduce_sum3A_1376 = arith.constant dense<0.000000e+00> : vector<512xf32>
    %reduce_sum3A_1377 = vector.multi_reduction <add>, %select_n3A_1372, %reduce_sum3A_1376 [1] : vector<512x4096xf32> to vector<512xf32>
    %broadcast_in_dim3A_1378 = vector.shape_cast %reduce_sum3A_1377 : vector<512xf32> to vector<512x1xf32>
    %mul3A_1379 = arith.mulf %sub3A_1375, %convert_element_type3A_1228 : vector<512x512xf32>
    %reduce_sum3A_1380 = arith.constant dense<0.000000e+00> : vector<512xf32>
    %reduce_sum3A_1381 = vector.multi_reduction <add>, %mul3A_1379, %reduce_sum3A_1380 [1] : vector<512x512xf32> to vector<512xf32>
    %broadcast_in_dim3A_1382 = vector.shape_cast %reduce_sum3A_1381 : vector<512xf32> to vector<512x1xf32>
    %add3A_1383 = arith.addf %broadcast_in_dim3A_1378, %broadcast_in_dim3A_1382 : vector<512x1xf32>
    %convert_element_type3A_1384 = arith.fptosi %add3A_1383 : vector<512x1xf32> to vector<512x1xi32>
    %swap3A_1385 = arith.constant 2048 : index
    %swap3A_1386 = arith.constant 0 : index
    %swap3A_1387 = vector.load %arg11[%swap3A_1385, %swap3A_1386] : memref<4096x1xi32, #tpu.memory_space<vmem>>, vector<512x1xi32>
    tpu.vector_store %arg11[%swap3A_1385, %swap3A_1386], %convert_element_type3A_1384 {strides = array<i32>} : memref<4096x1xi32, #tpu.memory_space<vmem>>, vector<512x1xi32>,
    %slice3A_1388 = vector.extract_strided_slice %transpose3A_1225 {offsets = [2560, 0], sizes = [512, 1], strides = [1, 1]} : vector<4096x1xf32> to vector<512x1xf32>
    %le3A_1389 = vector.broadcast %add3A_81 : vector<1x4096xf32> to vector<512x4096xf32>
    %le3A_1390 = vector.broadcast %slice3A_1388 : vector<512x1xf32> to vector<512x4096xf32>
    %le3A_1391 = arith.cmpf ole, %le3A_1389, %le3A_1390 : vector<512x4096xf32>
    %convert_element_type3A_1392 = arith.extui %le3A_1391 : vector<512x4096xi1> to vector<512x4096xi32>
    %convert_element_type3A_1393 = arith.sitofp %convert_element_type3A_1392 : vector<512x4096xi32> to vector<512x4096xf32>
    %lt3A_1394 = vector.broadcast %add3A_81 : vector<1x4096xf32> to vector<512x4096xf32>
    %lt3A_1395 = vector.broadcast %slice3A_1388 : vector<512x1xf32> to vector<512x4096xf32>
    %lt3A_1396 = arith.cmpf olt, %lt3A_1394, %lt3A_1395 : vector<512x4096xf32>
    %convert_element_type3A_1397 = arith.extui %lt3A_1396 : vector<512x4096xi1> to vector<512x4096xi32>
    %convert_element_type3A_1398 = arith.sitofp %convert_element_type3A_1397 : vector<512x4096xi32> to vector<512x4096xf32>
    %lt3A_1399 = arith.constant 2560 : i32
    %lt3A_1400 = vector.broadcast %lt3A_1399 : i32 to vector<1x4096xi32>
    %lt3A_1401 = arith.cmpi slt, %iota3A_1229, %lt3A_1400 : vector<1x4096xi32>
    %broadcast_in_dim3A_1402 = vector.shape_cast %lt3A_1401 : vector<1x4096xi1> to vector<1x4096xi1>
    %broadcast_in_dim3A_1403 = vector.broadcast %broadcast_in_dim3A_1402 : vector<1x4096xi1> to vector<512x4096xi1>
    %select_n3A_1404 = arith.select %broadcast_in_dim3A_1403, %convert_element_type3A_1393, %convert_element_type3A_1398 : vector<512x4096xi1>, vector<512x4096xf32>
    %slice3A_1405 = vector.extract_strided_slice %convert_element_type3A_1393 {offsets = [0, 2560], sizes = [512, 512], strides = [1, 1]} : vector<512x4096xf32> to vector<512x512xf32>
    %slice3A_1406 = vector.extract_strided_slice %convert_element_type3A_1398 {offsets = [0, 2560], sizes = [512, 512], strides = [1, 1]} : vector<512x4096xf32> to vector<512x512xf32>
    %sub3A_1407 = arith.subf %slice3A_1405, %slice3A_1406 : vector<512x512xf32>
    %reduce_sum3A_1408 = arith.constant dense<0.000000e+00> : vector<512xf32>
    %reduce_sum3A_1409 = vector.multi_reduction <add>, %select_n3A_1404, %reduce_sum3A_1408 [1] : vector<512x4096xf32> to vector<512xf32>
    %broadcast_in_dim3A_1410 = vector.shape_cast %reduce_sum3A_1409 : vector<512xf32> to vector<512x1xf32>
    %mul3A_1411 = arith.mulf %sub3A_1407, %convert_element_type3A_1228 : vector<512x512xf32>
    %reduce_sum3A_1412 = arith.constant dense<0.000000e+00> : vector<512xf32>
    %reduce_sum3A_1413 = vector.multi_reduction <add>, %mul3A_1411, %reduce_sum3A_1412 [1] : vector<512x512xf32> to vector<512xf32>
    %broadcast_in_dim3A_1414 = vector.shape_cast %reduce_sum3A_1413 : vector<512xf32> to vector<512x1xf32>
    %add3A_1415 = arith.addf %broadcast_in_dim3A_1410, %broadcast_in_dim3A_1414 : vector<512x1xf32>
    %convert_element_type3A_1416 = arith.fptosi %add3A_1415 : vector<512x1xf32> to vector<512x1xi32>
    %swap3A_1417 = arith.constant 2560 : index
    %swap3A_1418 = arith.constant 0 : index
    %swap3A_1419 = vector.load %arg11[%swap3A_1417, %swap3A_1418] : memref<4096x1xi32, #tpu.memory_space<vmem>>, vector<512x1xi32>
    tpu.vector_store %arg11[%swap3A_1417, %swap3A_1418], %convert_element_type3A_1416 {strides = array<i32>} : memref<4096x1xi32, #tpu.memory_space<vmem>>, vector<512x1xi32>,
    %slice3A_1420 = vector.extract_strided_slice %transpose3A_1225 {offsets = [3072, 0], sizes = [512, 1], strides = [1, 1]} : vector<4096x1xf32> to vector<512x1xf32>
    %le3A_1421 = vector.broadcast %add3A_81 : vector<1x4096xf32> to vector<512x4096xf32>
    %le3A_1422 = vector.broadcast %slice3A_1420 : vector<512x1xf32> to vector<512x4096xf32>
    %le3A_1423 = arith.cmpf ole, %le3A_1421, %le3A_1422 : vector<512x4096xf32>
    %convert_element_type3A_1424 = arith.extui %le3A_1423 : vector<512x4096xi1> to vector<512x4096xi32>
    %convert_element_type3A_1425 = arith.sitofp %convert_element_type3A_1424 : vector<512x4096xi32> to vector<512x4096xf32>
    %lt3A_1426 = vector.broadcast %add3A_81 : vector<1x4096xf32> to vector<512x4096xf32>
    %lt3A_1427 = vector.broadcast %slice3A_1420 : vector<512x1xf32> to vector<512x4096xf32>
    %lt3A_1428 = arith.cmpf olt, %lt3A_1426, %lt3A_1427 : vector<512x4096xf32>
    %convert_element_type3A_1429 = arith.extui %lt3A_1428 : vector<512x4096xi1> to vector<512x4096xi32>
    %convert_element_type3A_1430 = arith.sitofp %convert_element_type3A_1429 : vector<512x4096xi32> to vector<512x4096xf32>
    %lt3A_1431 = arith.constant 3072 : i32
    %lt3A_1432 = vector.broadcast %lt3A_1431 : i32 to vector<1x4096xi32>
    %lt3A_1433 = arith.cmpi slt, %iota3A_1229, %lt3A_1432 : vector<1x4096xi32>
    %broadcast_in_dim3A_1434 = vector.shape_cast %lt3A_1433 : vector<1x4096xi1> to vector<1x4096xi1>
    %broadcast_in_dim3A_1435 = vector.broadcast %broadcast_in_dim3A_1434 : vector<1x4096xi1> to vector<512x4096xi1>
    %select_n3A_1436 = arith.select %broadcast_in_dim3A_1435, %convert_element_type3A_1425, %convert_element_type3A_1430 : vector<512x4096xi1>, vector<512x4096xf32>
    %slice3A_1437 = vector.extract_strided_slice %convert_element_type3A_1425 {offsets = [0, 3072], sizes = [512, 512], strides = [1, 1]} : vector<512x4096xf32> to vector<512x512xf32>
    %slice3A_1438 = vector.extract_strided_slice %convert_element_type3A_1430 {offsets = [0, 3072], sizes = [512, 512], strides = [1, 1]} : vector<512x4096xf32> to vector<512x512xf32>
    %sub3A_1439 = arith.subf %slice3A_1437, %slice3A_1438 : vector<512x512xf32>
    %reduce_sum3A_1440 = arith.constant dense<0.000000e+00> : vector<512xf32>
    %reduce_sum3A_1441 = vector.multi_reduction <add>, %select_n3A_1436, %reduce_sum3A_1440 [1] : vector<512x4096xf32> to vector<512xf32>
    %broadcast_in_dim3A_1442 = vector.shape_cast %reduce_sum3A_1441 : vector<512xf32> to vector<512x1xf32>
    %mul3A_1443 = arith.mulf %sub3A_1439, %convert_element_type3A_1228 : vector<512x512xf32>
    %reduce_sum3A_1444 = arith.constant dense<0.000000e+00> : vector<512xf32>
    %reduce_sum3A_1445 = vector.multi_reduction <add>, %mul3A_1443, %reduce_sum3A_1444 [1] : vector<512x512xf32> to vector<512xf32>
    %broadcast_in_dim3A_1446 = vector.shape_cast %reduce_sum3A_1445 : vector<512xf32> to vector<512x1xf32>
    %add3A_1447 = arith.addf %broadcast_in_dim3A_1442, %broadcast_in_dim3A_1446 : vector<512x1xf32>
    %convert_element_type3A_1448 = arith.fptosi %add3A_1447 : vector<512x1xf32> to vector<512x1xi32>
    %swap3A_1449 = arith.constant 3072 : index
    %swap3A_1450 = arith.constant 0 : index
    %swap3A_1451 = vector.load %arg11[%swap3A_1449, %swap3A_1450] : memref<4096x1xi32, #tpu.memory_space<vmem>>, vector<512x1xi32>
    tpu.vector_store %arg11[%swap3A_1449, %swap3A_1450], %convert_element_type3A_1448 {strides = array<i32>} : memref<4096x1xi32, #tpu.memory_space<vmem>>, vector<512x1xi32>,
    %slice3A_1452 = vector.extract_strided_slice %transpose3A_1225 {offsets = [3584, 0], sizes = [512, 1], strides = [1, 1]} : vector<4096x1xf32> to vector<512x1xf32>
    %le3A_1453 = vector.broadcast %add3A_81 : vector<1x4096xf32> to vector<512x4096xf32>
    %le3A_1454 = vector.broadcast %slice3A_1452 : vector<512x1xf32> to vector<512x4096xf32>
    %le3A_1455 = arith.cmpf ole, %le3A_1453, %le3A_1454 : vector<512x4096xf32>
    %convert_element_type3A_1456 = arith.extui %le3A_1455 : vector<512x4096xi1> to vector<512x4096xi32>
    %convert_element_type3A_1457 = arith.sitofp %convert_element_type3A_1456 : vector<512x4096xi32> to vector<512x4096xf32>
    %lt3A_1458 = vector.broadcast %add3A_81 : vector<1x4096xf32> to vector<512x4096xf32>
    %lt3A_1459 = vector.broadcast %slice3A_1452 : vector<512x1xf32> to vector<512x4096xf32>
    %lt3A_1460 = arith.cmpf olt, %lt3A_1458, %lt3A_1459 : vector<512x4096xf32>
    %convert_element_type3A_1461 = arith.extui %lt3A_1460 : vector<512x4096xi1> to vector<512x4096xi32>
    %convert_element_type3A_1462 = arith.sitofp %convert_element_type3A_1461 : vector<512x4096xi32> to vector<512x4096xf32>
    %lt3A_1463 = arith.constant 3584 : i32
    %lt3A_1464 = vector.broadcast %lt3A_1463 : i32 to vector<1x4096xi32>
    %lt3A_1465 = arith.cmpi slt, %iota3A_1229, %lt3A_1464 : vector<1x4096xi32>
    %broadcast_in_dim3A_1466 = vector.shape_cast %lt3A_1465 : vector<1x4096xi1> to vector<1x4096xi1>
    %broadcast_in_dim3A_1467 = vector.broadcast %broadcast_in_dim3A_1466 : vector<1x4096xi1> to vector<512x4096xi1>
    %select_n3A_1468 = arith.select %broadcast_in_dim3A_1467, %convert_element_type3A_1457, %convert_element_type3A_1462 : vector<512x4096xi1>, vector<512x4096xf32>
    %slice3A_1469 = vector.extract_strided_slice %convert_element_type3A_1457 {offsets = [0, 3584], sizes = [512, 512], strides = [1, 1]} : vector<512x4096xf32> to vector<512x512xf32>
    %slice3A_1470 = vector.extract_strided_slice %convert_element_type3A_1462 {offsets = [0, 3584], sizes = [512, 512], strides = [1, 1]} : vector<512x4096xf32> to vector<512x512xf32>
    %sub3A_1471 = arith.subf %slice3A_1469, %slice3A_1470 : vector<512x512xf32>
    %reduce_sum3A_1472 = arith.constant dense<0.000000e+00> : vector<512xf32>
    %reduce_sum3A_1473 = vector.multi_reduction <add>, %select_n3A_1468, %reduce_sum3A_1472 [1] : vector<512x4096xf32> to vector<512xf32>
    %broadcast_in_dim3A_1474 = vector.shape_cast %reduce_sum3A_1473 : vector<512xf32> to vector<512x1xf32>
    %mul3A_1475 = arith.mulf %sub3A_1471, %convert_element_type3A_1228 : vector<512x512xf32>
    %reduce_sum3A_1476 = arith.constant dense<0.000000e+00> : vector<512xf32>
    %reduce_sum3A_1477 = vector.multi_reduction <add>, %mul3A_1475, %reduce_sum3A_1476 [1] : vector<512x512xf32> to vector<512xf32>
    %broadcast_in_dim3A_1478 = vector.shape_cast %reduce_sum3A_1477 : vector<512xf32> to vector<512x1xf32>
    %add3A_1479 = arith.addf %broadcast_in_dim3A_1474, %broadcast_in_dim3A_1478 : vector<512x1xf32>
    %convert_element_type3A_1480 = arith.fptosi %add3A_1479 : vector<512x1xf32> to vector<512x1xi32>
    %swap3A_1481 = arith.constant 3584 : index
    %swap3A_1482 = arith.constant 0 : index
    %swap3A_1483 = vector.load %arg11[%swap3A_1481, %swap3A_1482] : memref<4096x1xi32, #tpu.memory_space<vmem>>, vector<512x1xi32>
    tpu.vector_store %arg11[%swap3A_1481, %swap3A_1482], %convert_element_type3A_1480 {strides = array<i32>} : memref<4096x1xi32, #tpu.memory_space<vmem>>, vector<512x1xi32>,
    return
  }
}

</mosaic_0001>

<sc_bundles>
// kernel: kernel.5.cloned.1.call-start
scs
__scs_entry_jumppad:
0x0: {  	(pc) =	sbr.rel $0x88, $3  }
0x1: {  	(tag) =	ssettag $0x0;
	lr =	simm.s32 $0x1  }
0x2: {  	[smem:$0x3F98] =	sst lr;
	_ =	strace $0xD0000000  }
0x3: {  	_ = 	snop  }
0x4: {  	_ = 	snop  }
0x5: {  	_ = 	snop  }
0x6: {  	_ = 	snop  }
0x7: {  	_ = 	snop  }
__scs_overlays_trampoline_lowered:
0x8: {  	[smem:$0x3FA7] =	sst s0  }
0x9: {  	[smem:$0x3FA8] =	sst s1  }
0xa: {  	[smem:$0x3FA9] =	sst s2  }
0xb: {  	[smem:$0x3FAA] =	sst s3  }
0xc: {  	[smem:$0x3FAB] =	sst s4  }
0xd: {  	[smem:$0x3FAC] =	sst s5  }
0xe: {  	[smem:$0x3FAD] =	sst s6  }
0xf: {  	[smem:$0x3FAE] =	sst s7  }
0x10: {  	[smem:$0x3FAF] =	sst s8  }
0x11: {  	[smem:$0x3FB0] =	sst s9;
	s0 =	simm.s32 @!p0 $0x0  }
0x12: {  	s1 =	sld [smem:$0x3F96];
	s0 =	simm.s32 @p0 $0x1  }
0x13: {  	[smem:$0x3FB1] =	sst s0;
	s0 =	simm.s32 @!p1 $0x0  }
0x14: {  	s2 =	sld [smem:$0x3F95];
	s0 =	simm.s32 @p1 $0x1  }
0x15: {  	[smem:$0x3FB2] =	sst s0;
	s0 =	simm.s32 @!p2 $0x0  }
0x16: {  	s3 =	sld [smem:$0x3FDB];
	s0 =	simm.s32 @p2 $0x1  }
0x17: {  	s4 =	simm.s32 $0x1BF5;
	[smem:$0x3FB4] =	sst s0  }
0x18: {  	s0 =	sld [smem:$0x3F97];
	_ =	swait.ge [sflag:s4], $0x0  }
0x19: {  	s7 =	sld [smem:$0x3F98]  }
0x1a: {  	s8 =	sadd.s32 $0xFFFFE003, lr  }
0x1b: {  	s9 =	sadd.s32 $0xFFFFFEF7, lr;
	s5 =	simm.s32 $0xFFFFFFFF;
	p2 =	slt.u32 s8, $0xFFFFF086  }
0x1c: {  	p1 =	slt.u32 s9, $0xF7A;
	s5 =	simm.s32 @!p2 $0x0  }
0x1d: {  	s5 =	simm.s32 @p1 $0x1;
	p0 =	seq.s32 s7, s2  }
0x1e: {  	s7 =	smul.u32 @!p0 $0xF7A, s2;
	p2 =	seq.s32 @!p0 s5, $0x0  }
0x1f: {  	s9 =	smul.u32 $0xF7A, s1;
	s8 =	simm.s32 @!p0 $0x1BF5;
	p2 =	por !p2, p0  }
0x20: {  	[sflag:s8] =	ssyncset.s32 @!p0 $0xFFFFF086;
	s6 =	sadd.s32 @!p0 s3, s7;
	s7 =	simm.s32 @!p0 $0x108  }
0x21: {  	s3 =	sadd.s32 s3, s9;
	s6 =	sadd.s32 @!p0 $0x88, s6;
	s7 =	simm.s32 @p2 $0x1082  }
0x22: {  	[simem:s7], [sflag:s8] =	dma.local @!p0 [hbm:s6], $0xF7A  }
0x23: {  	s9 =	sor.u32 $0xD0000000, s2;
	s6 =	simm.s32 $0x108;
	_ =	swait.ge @!p0 [sflag:s8], $0x0  }
0x24: {  	s3 =	sadd.s32 $0x88, s3;
	s6 =	simm.s32 @!p1 $0x1082;
	[sflag:s4] =	ssyncset.s32 $0xFFFFF086  }
0x25: {  	[simem:s6], [sflag:s4] =	dma.local [hbm:s3], $0xF7A  }
0x26: {  	[smem:$0x3F98] =	sst s1;
	(tag) =	ssettag s2;
	_ =	strace s9  }
0x27: {  	s1 =	sld [smem:$0x3FA8]  }
0x28: {  	s2 =	sld [smem:$0x3FA9]  }
0x29: {  	s4 =	sld [smem:$0x3FAB]  }
0x2a: {  	p0 =	seq.s32 s5, $0x0;
	s5 =	sld [smem:$0x3FAC]  }
0x2b: {  	s6 =	sld [smem:$0x3FAD]  }
0x2c: {  	s7 =	sld [smem:$0x3FAE]  }
0x2d: {  	s3 =	simm.s32 $0x108;
	s8 =	sld [smem:$0x3FAF]  }
0x2e: {  	s3 =	simm.s32 @!p0 $0x1082;
	s9 =	sld [smem:$0x3FB0]  }
0x2f: {  	lr =	sadd.s32 s0, s3;
	s0 =	sld [smem:$0x3FA7]  }
0x30: {  	s3 =	sld [smem:$0x3FAA]  }
0x31: {  	[smem:$0x3FB3] =	sst s10  }
0x32: {  	s10 =	sld [smem:$0x3FB1];
	_ =	sdelay $0x3  }
0x33: {  	p0 =	seq.s32 s10, $0x1;
	s10 =	sld [smem:$0x3FB3];
	_ =	sdelay $0x3  }
0x34: {  	[smem:$0x3FB3] =	sst s10  }
0x35: {  	s10 =	sld [smem:$0x3FB2];
	_ =	sdelay $0x3  }
0x36: {  	p1 =	seq.s32 s10, $0x1;
	s10 =	sld [smem:$0x3FB3];
	_ =	sdelay $0x3  }
0x37: {  	[smem:$0x3FB3] =	sst s10  }
0x38: {  	s10 =	sld [smem:$0x3FB4]  }
0x39: {  	_ = 	snop;
	(pc) =	sbr.ind lr, $3  }
0x3a: {  	_ = 	snop  }
0x3b: {  	_ = 	snop  }
0x3c: {  	p2 =	seq.s32 s10, $0x1;
	s10 =	sld [smem:$0x3FB3]  }
0x3d: {  	_ =	shalt  }
0x3e: {  	_ =	shalt  }
0x3f: {  	_ =	shalt  }
0x40: {  	_ =	shalt  }
0x41: {  	_ =	shalt  }
0x42: {  	_ =	shalt  }
0x43: {  	_ =	shalt  }
0x44: {  	_ =	shalt  }
0x45: {  	_ =	shalt  }
0x46: {  	_ =	shalt  }
0x47: {  	_ =	shalt  }
0x48: {  	_ =	shalt  }
0x49: {  	_ =	shalt  }
0x4a: {  	_ =	shalt  }
0x4b: {  	_ =	shalt  }
0x4c: {  	_ =	shalt  }
0x4d: {  	_ =	shalt  }
0x4e: {  	_ =	shalt  }
0x4f: {  	_ =	shalt  }
0x50: {  	_ =	shalt  }
0x51: {  	_ =	shalt  }
0x52: {  	_ =	shalt  }
0x53: {  	_ =	shalt  }
0x54: {  	_ =	shalt  }
0x55: {  	_ =	shalt  }
0x56: {  	_ =	shalt  }
0x57: {  	_ =	shalt  }
0x58: {  	_ =	shalt  }
0x59: {  	_ =	shalt  }
0x5a: {  	_ =	shalt  }
0x5b: {  	_ =	shalt  }
0x5c: {  	_ =	shalt  }
0x5d: {  	_ =	shalt  }
0x5e: {  	_ =	shalt  }
0x5f: {  	_ =	shalt  }
0x60: {  	_ =	shalt  }
0x61: {  	_ =	shalt  }
0x62: {  	_ =	shalt  }
0x63: {  	_ =	shalt  }
0x64: {  	_ =	shalt  }
0x65: {  	_ =	shalt  }
0x66: {  	_ =	shalt  }
0x67: {  	_ =	shalt  }
0x68: {  	_ =	shalt  }
0x69: {  	_ =	shalt  }
0x6a: {  	_ =	shalt  }
0x6b: {  	_ =	shalt  }
0x6c: {  	_ =	shalt  }
0x6d: {  	_ =	shalt  }
0x6e: {  	_ =	shalt  }
0x6f: {  	_ =	shalt  }
0x70: {  	_ =	shalt  }
0x71: {  	_ =	shalt  }
0x72: {  	_ =	shalt  }
0x73: {  	_ =	shalt  }
0x74: {  	_ =	shalt  }
0x75: {  	_ =	shalt  }
0x76: {  	_ =	shalt  }
0x77: {  	_ =	shalt  }
0x78: {  	_ =	shalt  }
0x79: {  	_ =	shalt  }
0x7a: {  	_ =	shalt  }
0x7b: {  	_ =	shalt  }
0x7c: {  	_ =	shalt  }
0x7d: {  	_ =	shalt  }
0x7e: {  	_ =	shalt  }
0x7f: {  	_ =	shalt  }
0x80: {  	_ =	shalt  }
0x81: {  	_ =	shalt  }
0x82: {  	_ =	shalt  }
0x83: {  	_ =	shalt  }
0x84: {  	_ =	shalt  }
0x85: {  	_ =	shalt  }
0x86: {  	_ =	shalt  }
0x87: {  	_ =	shalt  }
.Lfunc_end0:
.L_simem_size_0:
called_computation_lowered:
.L_overlay_start_0:
0x88: {  	s2 =	sld [smem:$0x3FD9]  }
0x89: {  	s3 =	sld [smem:$0x3FFE];
	_ =	sdelay $0x1  }
0x8a: {  	s1 =	srdreg.scid  }
0x8b: {  	s0 =	sand.u32 $0x1, s1  }
0x8c: {  	s14 =	sshll.u32 s0, $0xA;
	s2 =	sadd.s32 s3, s2  }
0x8d: {  	s2 =	sadd.s32 s2, s14  }
0x8e: {  	[smem:$0x3FBF] =	sst s2  }
0x8f: {  	_ = 	snop  }
0x90: {  	s2 =	sld [smem:$0x3FD0];
	_ =	sdelay $0x2  }
0x91: {  	s15 =	simm.s32 $0xA;
	s4 =	simm.s32 $0x10  }
0x92: {  	[smem:s4], [sflag:s15] =	dma.local [hbm:s2], $0x1  }
0x93: {  	_ =	swait.eq [sflag:s15], $0x1  }
0x94: {  	[sflag:s15] =	ssyncset.done $0x0  }
0x95: {  	[sflag:s15] =	ssyncadd.s32 $0xFFFFFFFF  }
0x96: {  	s16 =	sld [smem:$0x10];
	(tm) =	ssettm $0x1  }
0x97: {  	s17 =	sld [smem:$0x3FFB];
	_ =	sdelay $0x3  }
0x98: {  	_ =	strace s17  }
0x99: {  	s3 =	sld [smem:$0x3FFC];
	_ =	sdelay $0x3  }
0x9a: {  	_ =	strace s3  }
0x9b: {  	s3 =	sld [smem:$0x3FFD];
	_ =	sdelay $0x3  }
0x9c: {  	_ =	strace s3  }
0x9d: {  	_ =	strace $0x8FFFFFFF  }
0x9e: {  	s18 =	sld [smem:$0x3FDB];
	_ =	sdelay $0x1  }
0x9f: {  	s19 =	simm.s32 $_scs_section_size  }
0xa0: {  	s5 =	simm.s32 $_size__tile_overlayer_lowered;
	s6 =	simm.s32 $_tile_overlayer_lowered  }
0xa1: {  	s22 =	simm.s32 $0x1BFF;
	s21 =	sshll.u32 s6, $0x1;
	s3 =	sadd.s32 s19, s18  }
0xa2: {  	s7 =	simm.s32 $0x0;
	s20 =	sshll.u32 s5, $0x1;
	s5 =	sadd.s32 s21, s3  }
0xa3: {  	[timem:s7], [sflag:s22] =	dma.local [hbm:s5], s20  }
0xa4: {  	_ =	swait.ge [sflag:s22], s20  }
0xa5: {  	s4 =	ssub.s32 $0x0, s20;
	[sflag:s22] =	ssyncset.done $0x0  }
0xa6: {  	[sflag:s22] =	ssyncadd.s32 s4;
	_ =	sdelay $0x1  }
0xa7: {  	s23 =	simm.s32 $0x1B8B  }
0xa8: {  	_ =	swait.ge [sflag:s23], $0x1  }
0xa9: {  	[sflag:s23] =	ssyncset.done $0x0  }
0xaa: {  	s25 =	simm.s32 $0x1B8E;
	s24 =	sld [smem:$0x3FFE];
	[sflag:s23] =	ssyncadd.s32 $0xFFFFFFFF  }
0xab: {  	s26 =	simm.s32 $execute0_lowered;
	[smem:$0x3FD2] =	sst s25  }
0xac: {  	s5 =	sshll.u32 s26, $0x1;
	_ =	strace $0x80000046;
	[dreg:$0x1] =	wrdreg $0xFFFFFFFF  }
0xad: {  	s28 =	simm.s32 $_size_execute0_lowered;
	s3 =	sadd.s32 s3, s5;
	[dreg:$0x0] =	wrdreg $0x0  }
0xae: {  	s5 =	sshll.u32 s28, $0x1;
	[dreg:$0x2] =	wrdreg s3  }
0xaf: {  	[dreg:$0x3] =	wrdreg s5  }
0xb0: {  	[dreg:$0x4] =	wrdreg $0xC0  }
0xb1: {  	_ =	task [dreg:s7], $0x5FFFF  }
0xb2: {  	[dreg:$0x1] =	wrdreg $0xFFFFFFFF  }
0xb3: {  	[dreg:$0x0] =	wrdreg $0x60  }
0xb4: {  	[dreg:$0x2] =	wrdreg s24  }
0xb5: {  	[dreg:$0x3] =	wrdreg s16  }
0xb6: {  	[dreg:$0x4] =	wrdreg $0x9  }
0xb7: {  	_ =	task.clear_ibuf [dreg:s7], $0x5FFFF;
	_ =	strace $0x90000046  }
0xb8: {  	s29 =	simm.s32 $0x9;
	_ =	strace $0x80000048  }
0xb9: {  	_ =	swait.ge [sflag:s29], $0x1  }
0xba: {  	[sflag:s29] =	ssyncadd.s32 $0xFFFFFFFF  }
0xbb: {  	_ =	strace $0x90000048  }
0xbc: {  	_ =	sfence  }
0xbd: {  	s30 =	sld [smem:$0x0];
	_ =	sdelay $0x2  }
0xbe: {  	s31 =	sshll.u32 s1, $0xD;
	s1 =	sshrl.u32 s1, $0x2  }
0xbf: {  	s3 =	sand.u32 $0x4000, s31;
	s1 =	sadd.s32 s1, s30  }
0xc0: {  	s0 =	sor.u32 s3, s0;
	s1 =	sshll.u32 s1, $0x11  }
0xc1: {  	s0 =	sor.u32 s1, s0  }
0xc2: {  	s0 =	sadd.s32 $0x8F2B, s0  }
0xc3: {  	[sflag:s0] =	ssyncadd.remote.s32 $0x1  }
0xc4: {  	_ =	sfence.sel $0xFFFF  }
0xc5: {  	[dreg:$0x0] =	wrdreg $0xFFFFFFFF;
	(pc) =	sbr.abs _section_cstart, $3  }
0xc6: {  	[dreg:$0x1] =	wrdreg $0xFFFFFFFF  }
0xc7: {  	_ =	task.clear_ibuf [dreg:s7], $0x2FFFF;
	_ =	strace $0x9FFFFFFF  }
0xc8: {  	(tm) =	ssettm $0x7FFFFFFF  }
0xc9: {  	_ =	shalt  }
tec
execute0_lowered:
.L_overlay_start_1:
0x0: {  	(tag) =	ssettag $0x1  }
0x1: {  	s1 =	srdreg.scid  }
0x2: {  	s0 =	stileid.u32;
	s5 =	sand.u32 $0x1, s1  }
0x3: {  	s7 =	rddreg [dreg:$0x0];
	s29 =	sshll.u32 s0, $0x8;
	s2 =	sshll.u32 s5, $0x7  }
0x4: {  	s6 =	rddreg [dreg:$0x1];
	s8 =	sor.u32 s2, s29  }
0x5: {  	s1 =	rddreg [dreg:$0x2];
	s2 =	simm.s32 $0x0;
	s3 =	sshll.u32 s8, $0x4  }
0x6: {  	s4 =	simm.s32 $0x2;
	[smem:$0x7FF] =	sst s2;
	s3 =	sadd.s32 s3, s7  }
0x7: {  	s9 =	ssub.s32 $0x2, s5;
	_ =	strace $0x80000047;
	s3 =	sadd.s32 $0x1600, s3  }
0x8: {  	[tilespmem:s2], [sflag:$0x2] =	stream.linear.gather [hbm4b:s3+s2], $0x4000, $0x38;
	[tilespmem:$0x4080] =	vst v63  }
0x9: {  	s10 =	sshrl.u32 s9, $0x1;
	s30 =	sshrl.u32 s8, $0x3;
	_ =	swait.ge [sflag:s4], $0x4000  }
0xa: {  	s31 =	ssub.s32 s9, s10;
	s5 =	sadd.s32 s6, s30;
	[sflag:s4] =	ssyncset.done $0x0  }
0xb: {  	s6 =	simm.s32 $0x4000;
	s10 =	smax.u32 s31, $0x1;
	[sflag:s4] =	ssyncadd.s32 $0xFFFFC000  }
0xc: {  	[tilespmem:s6], [sflag:$0x2] =	stream.linear.gather [hbm4b:s5+s2], $0x80, $0x38;
	[tilespmem:$0x4080] =	vst v63  }
0xd: {  	p0 =	sne.s32 s10, $0x1;
	_ =	swait.ge [sflag:s4], $0x80  }
.Ltmp0:
0xe: {  	s9 =	simm.s32 $0x80;
	[sflag:s4] =	ssyncset.done $0x0;
	(pc) =	sbr.rel @!p0 .LBB2_2-.Ltmp0, $4  }
0xf: {  	s8 =	simm.s32 $0x1;
	s7 =	sadd.s32 $0x11600, s7;
	[sflag:s4] =	ssyncadd.s32 $0xFFFFFF80  }
0x10: {  	[hbm4b:s7+s9] =	stream.indirect.scatter [tilespmem:s2], [sflag:$0x1], $0x80, s6, s9, $0xb8;
	[tilespmem:$0x4080] =	vst v63  }
0x11: {  	_ =	swait.ge [sflag:s8], $0x4000  }
0x12: {  	s10 =	sadd.s32 $0xFFFFFFFF, s10;
	[sflag:s8] =	ssyncset.done $0x0  }
.LBB2_1:
0x13: {  	p0 =	sne.s32 s10, $0x1;
	s10 =	sadd.s32 $0xFFFFFFFF, s10;
	[sflag:s8] =	ssyncadd.s32 $0xFFFFC000  }
0x14: {  	[tilespmem:s2], [sflag:$0x2] =	stream.linear.gather [hbm4b:s3+s2], $0x4000, $0x38;
	[tilespmem:$0x4080] =	vst v63  }
0x15: {  	_ =	swait.ge [sflag:s4], $0x4000  }
0x16: {  	[sflag:s4] =	ssyncset.done $0x0  }
0x17: {  	[sflag:s4] =	ssyncadd.s32 $0xFFFFC000  }
0x18: {  	[tilespmem:s6], [sflag:$0x2] =	stream.linear.gather [hbm4b:s5+s2], $0x80, $0x38;
	[tilespmem:$0x4080] =	vst v63  }
0x19: {  	_ =	swait.ge [sflag:s4], $0x80  }
.Ltmp1:
0x1a: {  	[sflag:s4] =	ssyncset.done $0x0;
	(pc) =	sbr.rel @p0 .LBB2_1-.Ltmp1, $4  }
0x1b: {  	[sflag:s4] =	ssyncadd.s32 $0xFFFFFF80  }
0x1c: {  	[hbm4b:s7+s9] =	stream.indirect.scatter [tilespmem:s2], [sflag:$0x1], $0x80, s6, s9, $0xb8;
	[tilespmem:$0x4080] =	vst v63  }
0x1d: {  	_ =	swait.ge [sflag:s8], $0x4000  }
0x1e: {  	[sflag:s8] =	ssyncset.done $0x0  }
.LBB2_2:
0x1f: {  	[sflag:s8] =	ssyncadd.s32 $0xFFFFC000  }
0x20: {  	_ =	sfence.sel $0x180000  }
0x21: {  	[bflag:$0x0] =	sbarrier.arrive $0xFFFF  }
0x22: {  	p0 =	sne.s32 s0, $0x0;
	_ =	strace $0x90000047  }
0x23: {  	s0 =	sadd.s32 @!p0 $0x100000, s1;
	[bflag:$0x2] =	sbarrier.arrive $0xFFFF  }
0x24: {  	[sflag:s0] =	ssyncadd.tile.s32 @!p0 $0x1;
	_ =	shalt  }
.Lfunc_end2:
_tile_overlayer_lowered:
.L_overlay_start_2:
0x25: {  	(tag) =	ssettag $0x2  }
0x26: {  	s0 =	rddreg [dreg:$0x0];
	s2 =	stileid.u32  }
0x27: {  	s1 =	rddreg [dreg:$0x1];
	p0 =	sne.s32 s2, $0x0  }
0x28: {  	s3 =	rddreg [dreg:$0x2];
	[bflag:$0x3] =	sbarrier.arrive $0xFFFF;
	s2 =	simm.s32 @!p0 $0x1C02  }
0x29: {  	[timem:s3], [sflag:s2] =	dma.local @!p0 [hbm:s0], s1  }
0x2a: {  	s0 =	simm.s32 @!p0 $0x2  }
0x2b: {  	_ =	swait.ge @!p0 [sflag:s0], s1  }
0x2c: {  	s1 =	ssub.s32 @!p0 $0x0, s1;
	[sflag:s0] =	ssyncset.done @!p0 $0x0  }
0x2d: {  	[sflag:s0] =	ssyncadd.s32 @!p0 s1  }
0x2e: {  	[bflag:$0x3] =	sbarrier.arrive $0xFFFF  }
0x2f: {  	_ =	shalt  }

</sc_bundles>
